<compile_context>
chip_gen: v7x
topology: tpu7x:2x2x1
jax: 0.10.2.dev20260603
libtpu: 0.0.44.dev20260713+nightly
codegen_flags: <defaults>
</compile_context>

<pallas_src>
import functools

import jax
import jax.numpy as jnp
from jax import lax
from jax.experimental import pallas as pl
from jax.experimental.pallas import tpu as pltpu
from jax.experimental.pallas import tpu_sc as plsc

NI = 360
DI = 11
DE = 5
HH = 10
KA = 90
KB = 22
NG = 128
NE = NG * NI * 32

_GATE_CHUNK = 32768
_PREC = lax.Precision.HIGHEST


def _gate_body(a_ref, w_ref, s_ref, d_ref, o_ref, f_ref, fg_ref):
    a = a_ref[...]
    w = w_ref[...]
    z = jnp.sum(a * w, axis=0, keepdims=True)
    o_ref[...] = jax.nn.sigmoid(z)
    s = s_ref[...]
    d = d_ref[...]
    sf = s.astype(jnp.float32)
    ge = jnp.floor((sf + 0.5) * (1.0 / NI)).astype(jnp.int32)
    sm = s - ge * NI
    dm = d - ge * NI
    base = ge * (NI * NI)
    f_ref[...] = base + sm * NI + dm
    fg_ref[...] = base + dm * NI + sm


def _gate_stage(edge_attr_t, We1, src, dst):
    n_chunks = NE // _GATE_CHUNK
    gate, F, FG = pl.pallas_call(
        _gate_body,
        grid=(n_chunks,),
        in_specs=[
            pl.BlockSpec((DE, _GATE_CHUNK), lambda i: (0, i)),
            pl.BlockSpec((DE, 1), lambda i: (0, 0)),
            pl.BlockSpec((1, _GATE_CHUNK), lambda i: (0, i)),
            pl.BlockSpec((1, _GATE_CHUNK), lambda i: (0, i)),
        ],
        out_specs=[pl.BlockSpec((1, _GATE_CHUNK), lambda i: (0, i))] * 3,
        out_shape=[
            jax.ShapeDtypeStruct((1, NE), jnp.float32),
            jax.ShapeDtypeStruct((1, NE), jnp.int32),
            jax.ShapeDtypeStruct((1, NE), jnp.int32),
        ],
    )(edge_attr_t, We1, src, dst)
    return gate.reshape(NE), F.reshape(NE), FG.reshape(NE)



_GPP = 12
_NPASS = -(-NG // _GPP)
_BLK = _GPP * NI * NI
_ECH = 1920
_EPW = NE // 16
_NCH = _EPW // _ECH
_DCH = 10800


def _sc_body(f_hbm, fg_hbm, gate_hbm, z_hbm, a_hbm, ag_hbm,
             f_v, g_v, idx_v, val_v, zv, dv, acc):
    cid = lax.axis_index("c")
    sid = lax.axis_index("s")
    pltpu.sync_copy(z_hbm.at[pl.ds(0, _DCH)], zv)

    def run(src_hbm, use_gate, out_hbm):
        @pl.loop(0, _NPASS)
        def _pass(p):
            lo = p * _BLK

            @pl.loop(0, 9)
            def _z(k):
                pltpu.sync_copy(
                    zv, acc.at[pl.ds((sid * 9 + k) * _DCH, _DCH)])

            plsc.subcore_barrier()

            @pl.loop(0, _NCH)
            def _chunk(ch):
                off = sid * _EPW + ch * _ECH
                pltpu.sync_copy(src_hbm.at[pl.ds(off, _ECH)], f_v)
                if use_gate:
                    pltpu.sync_copy(gate_hbm.at[pl.ds(off, _ECH)], g_v)

                @pl.loop(0, _ECH // 128)
                def _row(rr):
                    for l in range(8):
                        sl = pl.ds(rr * 128 + l * 16, 16)
                        t = f_v[sl] - lo
                        ok = (t >= 0) & (t < _BLK)
                        idx_v[sl] = jnp.where(ok, t, 0)
                        if use_gate:
                            v = jnp.where(ok, g_v[sl], 0.0)
                        else:
                            v = jnp.where(ok, 1.0, 0.0)
                        val_v[sl] = v

                pltpu.sync_copy(val_v, acc.at[idx_v], add=True)

            plsc.subcore_barrier()

            @pl.loop(0, 9)
            def _d(k):
                c = (sid * 9 + k) * _DCH

                @pl.when(lo + c + _DCH <= NG * NI * NI)
                def _():
                    pltpu.sync_copy(acc.at[pl.ds(c, _DCH)], dv)
                    pltpu.sync_copy(dv, out_hbm.at[pl.ds(lo + c, _DCH)])

            plsc.subcore_barrier()

    @pl.when(cid == 0)
    def _():
        run(f_hbm, False, a_hbm)

    @pl.when(cid == 1)
    def _():
        run(fg_hbm, True, ag_hbm)


@jax.jit
def _sc_scatter(F, FG, gate, zeros_blk):
    mesh = plsc.VectorSubcoreMesh(core_axis_name="c", subcore_axis_name="s")
    kern = pl.kernel(
        _sc_body,
        mesh=mesh,
        out_type=[
            jax.ShapeDtypeStruct((NG * NI * NI,), jnp.float32),
            jax.ShapeDtypeStruct((NG * NI * NI,), jnp.float32),
        ],
        scratch_types=[
            pltpu.VMEM((_ECH,), jnp.int32),
            pltpu.VMEM((_ECH,), jnp.float32),
            pltpu.VMEM((_ECH,), jnp.int32),
            pltpu.VMEM((_ECH,), jnp.float32),
            pltpu.VMEM((_DCH,), jnp.float32),
            pltpu.VMEM((_DCH,), jnp.float32),
            pltpu.VMEM_SHARED((_BLK,), jnp.float32),
        ],
    )
    return kern(F, FG, gate, zeros_blk)


def _dense_body(A_ref, Ag_ref, x_ref,
                Win_ref, Wins_ref, W1_ref, W1s_ref,
                Wp1a_ref, Wp1as_ref, Wp1b_ref,
                W2_ref, W2s_ref, W3_ref, W3s_ref,
                Wp2a_ref, Wp2as_ref, Wp2b_ref,
                Wfc1_ref, bfc1_ref, Wfc2_ref, bfc2_ref,
                fc_ref, reg_ref):
    b = pl.program_id(0)
    A = A_ref[0]
    Ag = Ag_ref[0]
    x = x_ref[0]

    def mm(p, q):
        return jnp.dot(p, q, precision=_PREC)

    def mm_t0(p, q):
        return lax.dot_general(p, q, (((0,), (0,)), ((), ())), precision=_PREC)

    def mm_t1(p, q):
        return lax.dot_general(p, q, (((1,), (1,)), ((), ())), precision=_PREC)

    deg = jnp.maximum(jnp.sum(A, axis=0), 1.0)
    dinv = (1.0 / deg)[:, None]

    saggx = mm(Ag, x) * dinv
    h0 = jax.nn.relu(mm(saggx, Win_ref[...]) + mm(x, Wins_ref[...]))
    saggh0 = mm(Ag, h0) * dinv
    h1 = jax.nn.relu(mm(saggh0, W1_ref[...]) + mm(h0, W1s_ref[...])) + h0

    s1h = jax.nn.relu(mm(saggx, Wp1a_ref[...]) + mm(x, Wp1as_ref[...]))
    S1 = jax.nn.softmax(mm(s1h, Wp1b_ref[...]), axis=-1)

    p1x = mm_t0(S1, h1)
    M1 = mm_t0(S1, A)
    A1 = mm(M1, S1)
    SS = mm_t1(S1, S1)
    el1 = jnp.sum((A - SS) ** 2)
    ml1 = -jnp.sum(S1 * jnp.log(S1 + 1e-9))

    A1n = A1 / jnp.maximum(jnp.sum(A1, axis=-1, keepdims=True), 1.0)
    Ap = mm(A1n, p1x)
    h2 = jax.nn.relu(mm(Ap, W2_ref[...]) + mm(p1x, W2s_ref[...]))
    h3 = jax.nn.relu(mm(mm(A1n, h2), W3_ref[...]) + mm(h2, W3s_ref[...])) + h2

    s2h = jax.nn.relu(mm(Ap, Wp2a_ref[...]) + mm(p1x, Wp2as_ref[...]))
    S2 = jax.nn.softmax(mm(s2h, Wp2b_ref[...]), axis=-1)
    p2x = mm_t0(S2, h3)
    SS2 = mm_t1(S2, S2)
    el2 = jnp.sum((A1n - SS2) ** 2)
    ml2 = -jnp.sum(S2 * jnp.log(S2 + 1e-9))

    P = mm(p2x, Wfc1_ref[...])
    kidx = lax.broadcasted_iota(jnp.int32, (KB, KB * 50), 0)
    cidx = lax.broadcasted_iota(jnp.int32, (KB, KB * 50), 1)
    s = jnp.sum(jnp.where(cidx // 50 == kidx, P, 0.0), axis=0, keepdims=True)
    c1 = lax.broadcasted_iota(jnp.int32, (KB * 50, 50), 0)
    j1 = lax.broadcasted_iota(jnp.int32, (KB * 50, 50), 1)
    G = jnp.where(c1 % 50 == j1, 1.0, 0.0)
    f1 = jax.nn.relu(mm(s, G) + bfc1_ref[...])
    fc_ref[...] = (mm(f1, Wfc2_ref[...]) + bfc2_ref[...]).reshape(1, 1, 2)

    @pl.when(b == 0)
    def _():
        reg_ref[...] = jnp.zeros((1, 4), jnp.float32)

    reg_ref[...] += jnp.array([[el1, ml1, el2, ml2]], jnp.float32)


def _dense_stage(A, AgT, x3, Win, Wins, W1, W1s, Wp1a, Wp1as, Wp1b,
                 W2, W2s, W3, W3s, Wp2a, Wp2as, Wp2b, Wfc1, bfc1, Wfc2, bfc2):
    full = lambda *shape: pl.BlockSpec(shape, lambda b: tuple(0 for _ in shape))
    fc, regp = pl.pallas_call(
        _dense_body,
        grid=(NG,),
        in_specs=[
            pl.BlockSpec((1, NI, NI), lambda b: (b, 0, 0)),
            pl.BlockSpec((1, NI, NI), lambda b: (b, 0, 0)),
            pl.BlockSpec((1, NI, DI), lambda b: (b, 0, 0)),
            full(DI, HH), full(DI, HH), full(HH, HH), full(HH, HH),
            full(DI, HH), full(DI, HH), full(HH, KA),
            full(HH, HH), full(HH, HH), full(HH, HH), full(HH, HH),
            full(HH, HH), full(HH, HH), full(HH, KB),
            full(HH, KB * 50), full(1, 50), full(50, 2), full(1, 2),
        ],
        out_specs=[
            pl.BlockSpec((1, 1, 2), lambda b: (b, 0, 0)),
            pl.BlockSpec((1, 4), lambda b: (0, 0)),
        ],
        out_shape=[
            jax.ShapeDtypeStruct((NG, 1, 2), jnp.float32),
            jax.ShapeDtypeStruct((1, 4), jnp.float32),
        ],
    )(A, AgT, x3, Win, Wins, W1, W1s, Wp1a, Wp1as, Wp1b,
      W2, W2s, W3, W3s, Wp2a, Wp2as, Wp2b, Wfc1, bfc1, Wfc2, bfc2)
    return fc, regp


def kernel(x, edge_index, edge_attr, batch_idx, We1, W_in, W_in_s, W1, W1_s,
           Wp1a, Wp1a_s, Wp1b, W2, W2_s, W3, W3_s, Wp2a, Wp2a_s, Wp2b,
           Wfc1, bfc1, Wfc2, bfc2):
    ei = edge_index.astype(jnp.int32)
    src, dst = ei[0].reshape(1, NE), ei[1].reshape(1, NE)
    gate, F, FG = _gate_stage(edge_attr.T, We1, src, dst)

    zeros_blk = jnp.zeros((_BLK,), jnp.float32)
    A_flat, Ag_flat = _sc_scatter(F, FG, gate, zeros_blk)
    A = A_flat.reshape(NG, NI, NI)
    AgT = Ag_flat.reshape(NG, NI, NI)

    x3 = x.reshape(NG, NI, DI)
    W4 = Wfc1.reshape(KB, HH, 50).transpose(1, 0, 2).reshape(HH, KB * 50)
    fc, regp = _dense_stage(
        A, AgT, x3, W_in, W_in_s, W1, W1_s, Wp1a, Wp1a_s, Wp1b,
        W2, W2_s, W3, W3_s, Wp2a, Wp2a_s, Wp2b,
        W4, bfc1.reshape(1, 50), Wfc2, bfc2.reshape(1, 2))

    p = regp[0]
    reg = (p[0] / (NG * NI * NI) + p[1] / (NG * NI)
           + p[2] / (NG * KA * KA) + p[3] / (NG * KA))
    return fc.reshape(NG, 2), jnp.expand_dims(reg, 0)

# --- scband reference (transcript-rebuilt; emitter-appended) ---
"""Pipeline reference for scband-cpnet-65283502899432 (READ-ONLY COPY).

The authoritative reference and input builder live on the scoring server;
editing this copy changes nothing except your own understanding.
"""

import jax, jax.numpy as jnp
import numpy as np

N_IN, D_IN, D_EDGE, H, K1, K2, B = 360, 11, 5, 10, 90, 22, 128


def setup_inputs(seed: int = 0) -> dict:
    key = jax.random.key(seed)
    ks = jax.random.split(key, 32)
    N = B * N_IN
    E = N * 32
    x = jax.random.normal(ks[0], (N, D_IN), dtype=jnp.float32)
    src = jax.random.randint(ks[1], (E,), 0, N)
    off = jax.random.randint(ks[2], (E,), 0, N_IN)
    dst = (src // N_IN) * N_IN + off  # keep edges within each 360-node graph
    edge_index = jnp.stack([src, dst])
    edge_attr = jax.random.uniform(ks[3], (E, D_EDGE), dtype=jnp.float32)
    batch_idx = jnp.arange(N) // N_IN
    def w(k, shape):
        return 0.1 * jax.random.normal(k, shape, dtype=jnp.float32)
    return {
        'x': x, 'edge_index': edge_index, 'edge_attr': edge_attr, 'batch_idx': batch_idx,
        'We1': w(ks[4], (D_EDGE, 1)),
        'W_in': w(ks[5], (D_IN, H)), 'W_in_s': w(ks[6], (D_IN, H)),
        'W1': w(ks[7], (H, H)), 'W1_s': w(ks[8], (H, H)),
        'Wp1a': w(ks[9], (D_IN, H)), 'Wp1a_s': w(ks[10], (D_IN, H)), 'Wp1b': w(ks[11], (H, K1)),
        'W2': w(ks[12], (H, H)), 'W2_s': w(ks[13], (H, H)),
        'W3': w(ks[14], (H, H)), 'W3_s': w(ks[15], (H, H)),
        'Wp2a': w(ks[16], (H, H)), 'Wp2a_s': w(ks[17], (H, H)), 'Wp2b': w(ks[18], (H, K2)),
        'Wfc1': w(ks[19], (K2 * H, 50)), 'bfc1': jnp.zeros((50,), jnp.float32),
        'Wfc2': w(ks[20], (50, 2)), 'bfc2': jnp.zeros((2,), jnp.float32),
    }


def reference(x, edge_index, edge_attr, batch_idx, We1, W_in, W_in_s, W1, W1_s,
              Wp1a, Wp1a_s, Wp1b, W2, W2_s, W3, W3_s, Wp2a, Wp2a_s, Wp2b,
              Wfc1, bfc1, Wfc2, bfc2):
    N = x.shape[0]
    Bg = N // N_IN
    src, dst = edge_index[0], edge_index[1]
    ones = jnp.ones((src.shape[0], 1), dtype=x.dtype)
    deg = jnp.maximum(jax.ops.segment_sum(ones, dst, num_segments=N), 1.0)
    gate = jax.nn.sigmoid(edge_attr @ We1)
    def sagg(h):
        return jax.ops.segment_sum(h[src] * gate, dst, num_segments=N) / deg
    # conv1: ResConvBlock (edge-gated mean-aggregation GCN, depth=1, residual)
    h0 = jax.nn.relu(sagg(x) @ W_in + x @ W_in_s)
    h1 = jax.nn.relu(sagg(h0) @ W1 + h0 @ W1_s) + h0
    # pool1: DiffPool-style learned assignment from raw x (in_channels=11) to 90 clusters
    s1h = jax.nn.relu(sagg(x) @ Wp1a + x @ Wp1a_s)
    S1 = jax.nn.softmax((s1h @ Wp1b).reshape(Bg, N_IN, K1), axis=-1)
    A = jnp.zeros((Bg, N_IN, N_IN), dtype=x.dtype).at[src // N_IN, src % N_IN, dst % N_IN].add(1.0)
    xd = h1.reshape(Bg, N_IN, H)
    p1x = jnp.einsum('bnk,bnd->bkd', S1, xd)
    A1 = jnp.einsum('bnk,bnm,bml->bkl', S1, A, S1)
    el1 = jnp.mean((A - S1 @ jnp.swapaxes(S1, 1, 2)) ** 2)
    ml1 = jnp.mean(-jnp.sum(S1 * jnp.log(S1 + 1e-9), axis=-1))
    A1n = A1 / jnp.maximum(jnp.sum(A1, axis=-1, keepdims=True), 1.0)
    # conv2 on pooled dense graph
    h2 = jax.nn.relu(A1n @ p1x @ W2 + p1x @ W2_s)
    h3 = jax.nn.relu(A1n @ h2 @ W3 + h2 @ W3_s) + h2
    # pool2: 90 -> 22 clusters
    s2h = jax.nn.relu(A1n @ p1x @ Wp2a + p1x @ Wp2a_s)
    S2 = jax.nn.softmax(s2h @ Wp2b, axis=-1)
    p2x = jnp.einsum('bnk,bnd->bkd', S2, h3)
    el2 = jnp.mean((A1n - S2 @ jnp.swapaxes(S2, 1, 2)) ** 2)
    ml2 = jnp.mean(-jnp.sum(S2 * jnp.log(S2 + 1e-9), axis=-1))
    pooled = p2x.reshape(Bg, K2 * H)
    fc = jax.nn.relu(pooled @ Wfc1 + bfc1) @ Wfc2 + bfc2
    reg = jnp.expand_dims(ml1 + el1 + ml2 + el2, 0)
    return fc, reg

if __name__ == "__main__":
    import jax
    _d = setup_inputs()
    print(jax.jit(kernel)(*tuple(_d.values())))

</pallas_src>

<mosaic_0001>
#map = affine_map<(d0, d1) -> (0)>
module attributes {stable_mosaic.version = 14 : i64} {
  func.func @_sc_body(%arg0: i32, %arg1: i32, %arg2: memref<1474560xi32, #tpu.memory_space<hbm>>, %arg3: memref<1474560xi32, #tpu.memory_space<hbm>>, %arg4: memref<1474560xf32, #tpu.memory_space<hbm>>, %arg5: memref<1555200xf32, #tpu.memory_space<hbm>>, %arg6: memref<16588800xf32, #tpu.memory_space<hbm>>, %arg7: memref<16588800xf32, #tpu.memory_space<hbm>>, %arg8: memref<1920xi32, #tpu.memory_space<vmem>>, %arg9: memref<1920xf32, #tpu.memory_space<vmem>>, %arg10: memref<1920xi32, #tpu.memory_space<vmem>>, %arg11: memref<1920xf32, #tpu.memory_space<vmem>>, %arg12: memref<10800xf32, #tpu.memory_space<vmem>>, %arg13: memref<10800xf32, #tpu.memory_space<vmem>>, %arg14: memref<1555200xf32, #tpu.memory_space<vmem_shared>>) attributes {dimension_semantics = [#tpu.dimension_semantics<core_parallel>, #tpu.dimension_semantics<subcore_parallel>], iteration_bounds = array<i64: 2, 16>, scalar_prefetch = 0 : i64, scratch_operands = 7 : i64, tpu.core_type = #tpu.core_type<sc_vector_subcore>, window_params = [{transform_indices = #map}, {transform_indices = #map}, {transform_indices = #map}, {transform_indices = #map}, {transform_indices = #map}, {transform_indices = #map}]} {
    "tpu.region"() ({
      %run_scoped3A = tpu.sem_alloc : memref<!tpu.dma_semaphore, #tpu.memory_space<semaphore_mem>>
      %dma_start3A = arith.constant 0 : i32
      %dma_start3A_7 = tpu.memref_slice %arg5[%dma_start3A] : memref<1555200xf32, #tpu.memory_space<hbm>> -> memref<10800xf32, #tpu.memory_space<hbm>>
      %dma_start3A_8 = arith.constant 0 : i32
      %dma_start3A_9 = tpu.memref_slice %arg5[%dma_start3A_8] : memref<1555200xf32, #tpu.memory_space<hbm>> -> memref<10800xf32, #tpu.memory_space<hbm>>
      tpu.enqueue_dma source(%dma_start3A_9 : memref<10800xf32, #tpu.memory_space<hbm>>) target(%arg12 : memref<10800xf32, #tpu.memory_space<vmem>>) target_semaphore(%run_scoped3A : memref<!tpu.dma_semaphore, #tpu.memory_space<semaphore_mem>>)
      %dma_wait3A = arith.constant 0 : i32
      %dma_wait3A_10 = tpu.memref_slice %arg5[%dma_wait3A] : memref<1555200xf32, #tpu.memory_space<hbm>> -> memref<10800xf32, #tpu.memory_space<hbm>>
      %dma_wait3A_11 = arith.constant 0 : i32
      %dma_wait3A_12 = tpu.memref_slice %arg5[%dma_wait3A_11] : memref<1555200xf32, #tpu.memory_space<hbm>> -> memref<10800xf32, #tpu.memory_space<hbm>>
      tpu.wait_dma2 semaphore(%run_scoped3A : memref<!tpu.dma_semaphore, #tpu.memory_space<semaphore_mem>>) src(%dma_wait3A_12 : memref<10800xf32, #tpu.memory_space<hbm>>) dst(%arg12 : memref<10800xf32, #tpu.memory_space<vmem>>)
      tpu.yield
    }) : () -> ()
    %eq3A = arith.constant 0 : i32
    %eq3A_0 = arith.cmpi eq, %arg0, %eq3A : i32
    %convert_element_type3A = arith.extui %eq3A_0 : i1 to i32
    %cond3A = arith.constant 0 : i32
    %cond3A_1 = arith.cmpi ne, %convert_element_type3A, %cond3A : i32
    scf.if %cond3A_1 {
      %scan3A = arith.constant 0 : i32
      %scan3A_7 = arith.constant 11 : i32
      %scan3A_8 = arith.addi %scan3A, %scan3A_7 : i32
      %scan3A_9 = arith.constant 1 : i32
      scf.for %scan3A_11 = %scan3A to %scan3A_8 step %scan3A_9  : i32 {
        %mul3A = arith.constant 1 : i32
        %mul3A_12 = arith.muli %scan3A_11, %mul3A : i32
        %add3A = arith.constant 0 : i32
        %add3A_13 = arith.addi %add3A, %mul3A_12 : i32
        %mul3A_14 = arith.constant 1555200 : i32
        %mul3A_15 = arith.muli %add3A_13, %mul3A_14 : i32
        %scan3A_16 = arith.constant 0 : i32
        %scan3A_17 = arith.constant 9 : i32
        %scan3A_18 = arith.addi %scan3A_16, %scan3A_17 : i32
        %scan3A_19 = arith.constant 1 : i32
        scf.for %scan3A_33 = %scan3A_16 to %scan3A_18 step %scan3A_19  : i32 {
          %mul3A_34 = arith.constant 1 : i32
          %mul3A_35 = arith.muli %scan3A_33, %mul3A_34 : i32
          %add3A_36 = arith.constant 0 : i32
          %add3A_37 = arith.addi %add3A_36, %mul3A_35 : i32
          %mul3A_38 = arith.constant 9 : i32
          %mul3A_39 = arith.muli %arg1, %mul3A_38 : i32
          %add3A_40 = arith.addi %mul3A_39, %add3A_37 : i32
          %mul3A_41 = arith.constant 10800 : i32
          %mul3A_42 = arith.muli %add3A_40, %mul3A_41 : i32
          "tpu.region"() ({
            %run_scoped3A = tpu.sem_alloc : memref<!tpu.dma_semaphore, #tpu.memory_space<semaphore_mem>>
            %dma_start3A = tpu.memref_slice %arg14[%mul3A_42] : memref<1555200xf32, #tpu.memory_space<vmem_shared>> -> memref<10800xf32, #tpu.memory_space<vmem_shared>>
            %dma_start3A_43 = tpu.memref_slice %arg14[%mul3A_42] : memref<1555200xf32, #tpu.memory_space<vmem_shared>> -> memref<10800xf32, #tpu.memory_space<vmem_shared>>
            tpu.enqueue_dma source(%arg12 : memref<10800xf32, #tpu.memory_space<vmem>>) target(%dma_start3A_43 : memref<10800xf32, #tpu.memory_space<vmem_shared>>) target_semaphore(%run_scoped3A : memref<!tpu.dma_semaphore, #tpu.memory_space<semaphore_mem>>)
            %dma_wait3A = tpu.memref_slice %arg14[%mul3A_42] : memref<1555200xf32, #tpu.memory_space<vmem_shared>> -> memref<10800xf32, #tpu.memory_space<vmem_shared>>
            %dma_wait3A_44 = tpu.memref_slice %arg14[%mul3A_42] : memref<1555200xf32, #tpu.memory_space<vmem_shared>> -> memref<10800xf32, #tpu.memory_space<vmem_shared>>
            tpu.wait_dma2 semaphore(%run_scoped3A : memref<!tpu.dma_semaphore, #tpu.memory_space<semaphore_mem>>) src(%arg12 : memref<10800xf32, #tpu.memory_space<vmem>>) dst(%dma_wait3A_44 : memref<10800xf32, #tpu.memory_space<vmem_shared>>)
            tpu.yield
          }) : () -> ()
        }
        %scan3A_20 = arith.constant 9 : i32
        %barrier3A = arith.constant 0 : index
        tpu.barrier barrier_id(%barrier3A)
        %scan3A_21 = arith.constant 0 : i32
        %scan3A_22 = arith.constant 48 : i32
        %scan3A_23 = arith.addi %scan3A_21, %scan3A_22 : i32
        %scan3A_24 = arith.constant 1 : i32
        scf.for %scan3A_33 = %scan3A_21 to %scan3A_23 step %scan3A_24  : i32 {
          %mul3A_34 = arith.constant 1 : i32
          %mul3A_35 = arith.muli %scan3A_33, %mul3A_34 : i32
          %add3A_36 = arith.constant 0 : i32
          %add3A_37 = arith.addi %add3A_36, %mul3A_35 : i32
          %mul3A_38 = arith.constant 92160 : i32
          %mul3A_39 = arith.muli %arg1, %mul3A_38 : i32
          %mul3A_40 = arith.constant 1920 : i32
          %mul3A_41 = arith.muli %add3A_37, %mul3A_40 : i32
          %add3A_42 = arith.addi %mul3A_39, %mul3A_41 : i32
          "tpu.region"() ({
            %run_scoped3A = tpu.sem_alloc : memref<!tpu.dma_semaphore, #tpu.memory_space<semaphore_mem>>
            %dma_start3A = tpu.memref_slice %arg2[%add3A_42] : memref<1474560xi32, #tpu.memory_space<hbm>> -> memref<1920xi32, #tpu.memory_space<hbm>>
            %dma_start3A_48 = tpu.memref_slice %arg2[%add3A_42] : memref<1474560xi32, #tpu.memory_space<hbm>> -> memref<1920xi32, #tpu.memory_space<hbm>>
            tpu.enqueue_dma source(%dma_start3A_48 : memref<1920xi32, #tpu.memory_space<hbm>>) target(%arg8 : memref<1920xi32, #tpu.memory_space<vmem>>) target_semaphore(%run_scoped3A : memref<!tpu.dma_semaphore, #tpu.memory_space<semaphore_mem>>)
            %dma_wait3A = tpu.memref_slice %arg2[%add3A_42] : memref<1474560xi32, #tpu.memory_space<hbm>> -> memref<1920xi32, #tpu.memory_space<hbm>>
            %dma_wait3A_49 = tpu.memref_slice %arg2[%add3A_42] : memref<1474560xi32, #tpu.memory_space<hbm>> -> memref<1920xi32, #tpu.memory_space<hbm>>
            tpu.wait_dma2 semaphore(%run_scoped3A : memref<!tpu.dma_semaphore, #tpu.memory_space<semaphore_mem>>) src(%dma_wait3A_49 : memref<1920xi32, #tpu.memory_space<hbm>>) dst(%arg8 : memref<1920xi32, #tpu.memory_space<vmem>>)
            tpu.yield
          }) : () -> ()
          %scan3A_43 = arith.constant 0 : i32
          %scan3A_44 = arith.constant 15 : i32
          %scan3A_45 = arith.addi %scan3A_43, %scan3A_44 : i32
          %scan3A_46 = arith.constant 1 : i32
          scf.for %scan3A_48 = %scan3A_43 to %scan3A_45 step %scan3A_46  : i32 {
            %mul3A_49 = arith.constant 1 : i32
            %mul3A_50 = arith.muli %scan3A_48, %mul3A_49 : i32
            %add3A_51 = arith.constant 0 : i32
            %add3A_52 = arith.addi %add3A_51, %mul3A_50 : i32
            %mul3A_53 = arith.constant 128 : i32
            %mul3A_54 = arith.muli %add3A_52, %mul3A_53 : i32
            %add3A_55 = arith.constant 0 : i32
            %add3A_56 = arith.addi %mul3A_54, %add3A_55 : i32
            %get3A = arith.index_cast %add3A_56 : i32 to index
            %get3A_57 = tpu.vector_load %arg8[%get3A] {strides = array<i32>} : memref<1920xi32, #tpu.memory_space<vmem>>, vector<16xi32>,
            %get3A_58 = vector.shape_cast %get3A_57 : vector<16xi32> to vector<16xi32>
            %sub3A = vector.broadcast %mul3A_15 : i32 to vector<16xi32>
            %sub3A_59 = arith.subi %get3A_58, %sub3A : vector<16xi32>
            %ge3A = arith.constant 0 : i32
            %ge3A_60 = vector.broadcast %ge3A : i32 to vector<16xi32>
            %ge3A_61 = arith.cmpi sge, %sub3A_59, %ge3A_60 : vector<16xi32>
            %lt3A = arith.constant 1555200 : i32
            %lt3A_62 = vector.broadcast %lt3A : i32 to vector<16xi32>
            %lt3A_63 = arith.cmpi slt, %sub3A_59, %lt3A_62 : vector<16xi32>
            %and3A = arith.andi %ge3A_61, %lt3A_63 : vector<16xi1>
            %jit3A = arith.constant 0 : i32
            %broadcast_in_dim3A = vector.broadcast %jit3A : i32 to vector<16xi32>
            %select_n3A = arith.select %and3A, %sub3A_59, %broadcast_in_dim3A : vector<16xi1>, vector<16xi32>
            %swap3A = arith.index_cast %add3A_56 : i32 to index
            %swap3A_64 = tpu.vector_load %arg10[%swap3A] {strides = array<i32>} : memref<1920xi32, #tpu.memory_space<vmem>>, vector<16xi32>,
            %swap3A_65 = vector.shape_cast %swap3A_64 : vector<16xi32> to vector<16xi32>
            %swap3A_66 = vector.shape_cast %select_n3A : vector<16xi32> to vector<16xi32>
            tpu.vector_store %arg10[%swap3A], %swap3A_66 {strides = array<i32>} : memref<1920xi32, #tpu.memory_space<vmem>>, vector<16xi32>,
            %jit3A_67 = arith.constant 1.000000e+00 : f32
            %jit3A_68 = arith.constant 0.000000e+00 : f32
            %broadcast_in_dim3A_69 = vector.broadcast %jit3A_67 : f32 to vector<16xf32>
            %broadcast_in_dim3A_70 = vector.broadcast %jit3A_68 : f32 to vector<16xf32>
            %select_n3A_71 = arith.select %and3A, %broadcast_in_dim3A_69, %broadcast_in_dim3A_70 : vector<16xi1>, vector<16xf32>
            %swap3A_72 = arith.index_cast %add3A_56 : i32 to index
            %swap3A_73 = tpu.vector_load %arg11[%swap3A_72] {strides = array<i32>} : memref<1920xf32, #tpu.memory_space<vmem>>, vector<16xf32>,
            %swap3A_74 = vector.shape_cast %swap3A_73 : vector<16xf32> to vector<16xf32>
            %swap3A_75 = vector.shape_cast %select_n3A_71 : vector<16xf32> to vector<16xf32>
            tpu.vector_store %arg11[%swap3A_72], %swap3A_75 {strides = array<i32>} : memref<1920xf32, #tpu.memory_space<vmem>>, vector<16xf32>,
            %mul3A_76 = arith.constant 128 : i32
            %mul3A_77 = arith.muli %add3A_52, %mul3A_76 : i32
            %add3A_78 = arith.constant 16 : i32
            %add3A_79 = arith.addi %mul3A_77, %add3A_78 : i32
            %get3A_80 = arith.index_cast %add3A_79 : i32 to index
            %get3A_81 = tpu.vector_load %arg8[%get3A_80] {strides = array<i32>} : memref<1920xi32, #tpu.memory_space<vmem>>, vector<16xi32>,
            %get3A_82 = vector.shape_cast %get3A_81 : vector<16xi32> to vector<16xi32>
            %sub3A_83 = vector.broadcast %mul3A_15 : i32 to vector<16xi32>
            %sub3A_84 = arith.subi %get3A_82, %sub3A_83 : vector<16xi32>
            %ge3A_85 = arith.constant 0 : i32
            %ge3A_86 = vector.broadcast %ge3A_85 : i32 to vector<16xi32>
            %ge3A_87 = arith.cmpi sge, %sub3A_84, %ge3A_86 : vector<16xi32>
            %lt3A_88 = arith.constant 1555200 : i32
            %lt3A_89 = vector.broadcast %lt3A_88 : i32 to vector<16xi32>
            %lt3A_90 = arith.cmpi slt, %sub3A_84, %lt3A_89 : vector<16xi32>
            %and3A_91 = arith.andi %ge3A_87, %lt3A_90 : vector<16xi1>
            %jit3A_92 = arith.constant 0 : i32
            %broadcast_in_dim3A_93 = vector.broadcast %jit3A_92 : i32 to vector<16xi32>
            %select_n3A_94 = arith.select %and3A_91, %sub3A_84, %broadcast_in_dim3A_93 : vector<16xi1>, vector<16xi32>
            %swap3A_95 = arith.index_cast %add3A_79 : i32 to index
            %swap3A_96 = tpu.vector_load %arg10[%swap3A_95] {strides = array<i32>} : memref<1920xi32, #tpu.memory_space<vmem>>, vector<16xi32>,
            %swap3A_97 = vector.shape_cast %swap3A_96 : vector<16xi32> to vector<16xi32>
            %swap3A_98 = vector.shape_cast %select_n3A_94 : vector<16xi32> to vector<16xi32>
            tpu.vector_store %arg10[%swap3A_95], %swap3A_98 {strides = array<i32>} : memref<1920xi32, #tpu.memory_space<vmem>>, vector<16xi32>,
            %jit3A_99 = arith.constant 1.000000e+00 : f32
            %jit3A_100 = arith.constant 0.000000e+00 : f32
            %broadcast_in_dim3A_101 = vector.broadcast %jit3A_99 : f32 to vector<16xf32>
            %broadcast_in_dim3A_102 = vector.broadcast %jit3A_100 : f32 to vector<16xf32>
            %select_n3A_103 = arith.select %and3A_91, %broadcast_in_dim3A_101, %broadcast_in_dim3A_102 : vector<16xi1>, vector<16xf32>
            %swap3A_104 = arith.index_cast %add3A_79 : i32 to index
            %swap3A_105 = tpu.vector_load %arg11[%swap3A_104] {strides = array<i32>} : memref<1920xf32, #tpu.memory_space<vmem>>, vector<16xf32>,
            %swap3A_106 = vector.shape_cast %swap3A_105 : vector<16xf32> to vector<16xf32>
            %swap3A_107 = vector.shape_cast %select_n3A_103 : vector<16xf32> to vector<16xf32>
            tpu.vector_store %arg11[%swap3A_104], %swap3A_107 {strides = array<i32>} : memref<1920xf32, #tpu.memory_space<vmem>>, vector<16xf32>,
            %mul3A_108 = arith.constant 128 : i32
            %mul3A_109 = arith.muli %add3A_52, %mul3A_108 : i32
            %add3A_110 = arith.constant 32 : i32
            %add3A_111 = arith.addi %mul3A_109, %add3A_110 : i32
            %get3A_112 = arith.index_cast %add3A_111 : i32 to index
            %get3A_113 = tpu.vector_load %arg8[%get3A_112] {strides = array<i32>} : memref<1920xi32, #tpu.memory_space<vmem>>, vector<16xi32>,
            %get3A_114 = vector.shape_cast %get3A_113 : vector<16xi32> to vector<16xi32>
            %sub3A_115 = vector.broadcast %mul3A_15 : i32 to vector<16xi32>
            %sub3A_116 = arith.subi %get3A_114, %sub3A_115 : vector<16xi32>
            %ge3A_117 = arith.constant 0 : i32
            %ge3A_118 = vector.broadcast %ge3A_117 : i32 to vector<16xi32>
            %ge3A_119 = arith.cmpi sge, %sub3A_116, %ge3A_118 : vector<16xi32>
            %lt3A_120 = arith.constant 1555200 : i32
            %lt3A_121 = vector.broadcast %lt3A_120 : i32 to vector<16xi32>
            %lt3A_122 = arith.cmpi slt, %sub3A_116, %lt3A_121 : vector<16xi32>
            %and3A_123 = arith.andi %ge3A_119, %lt3A_122 : vector<16xi1>
            %jit3A_124 = arith.constant 0 : i32
            %broadcast_in_dim3A_125 = vector.broadcast %jit3A_124 : i32 to vector<16xi32>
            %select_n3A_126 = arith.select %and3A_123, %sub3A_116, %broadcast_in_dim3A_125 : vector<16xi1>, vector<16xi32>
            %swap3A_127 = arith.index_cast %add3A_111 : i32 to index
            %swap3A_128 = tpu.vector_load %arg10[%swap3A_127] {strides = array<i32>} : memref<1920xi32, #tpu.memory_space<vmem>>, vector<16xi32>,
            %swap3A_129 = vector.shape_cast %swap3A_128 : vector<16xi32> to vector<16xi32>
            %swap3A_130 = vector.shape_cast %select_n3A_126 : vector<16xi32> to vector<16xi32>
            tpu.vector_store %arg10[%swap3A_127], %swap3A_130 {strides = array<i32>} : memref<1920xi32, #tpu.memory_space<vmem>>, vector<16xi32>,
            %jit3A_131 = arith.constant 1.000000e+00 : f32
            %jit3A_132 = arith.constant 0.000000e+00 : f32
            %broadcast_in_dim3A_133 = vector.broadcast %jit3A_131 : f32 to vector<16xf32>
            %broadcast_in_dim3A_134 = vector.broadcast %jit3A_132 : f32 to vector<16xf32>
            %select_n3A_135 = arith.select %and3A_123, %broadcast_in_dim3A_133, %broadcast_in_dim3A_134 : vector<16xi1>, vector<16xf32>
            %swap3A_136 = arith.index_cast %add3A_111 : i32 to index
            %swap3A_137 = tpu.vector_load %arg11[%swap3A_136] {strides = array<i32>} : memref<1920xf32, #tpu.memory_space<vmem>>, vector<16xf32>,
            %swap3A_138 = vector.shape_cast %swap3A_137 : vector<16xf32> to vector<16xf32>
            %swap3A_139 = vector.shape_cast %select_n3A_135 : vector<16xf32> to vector<16xf32>
            tpu.vector_store %arg11[%swap3A_136], %swap3A_139 {strides = array<i32>} : memref<1920xf32, #tpu.memory_space<vmem>>, vector<16xf32>,
            %mul3A_140 = arith.constant 128 : i32
            %mul3A_141 = arith.muli %add3A_52, %mul3A_140 : i32
            %add3A_142 = arith.constant 48 : i32
            %add3A_143 = arith.addi %mul3A_141, %add3A_142 : i32
            %get3A_144 = arith.index_cast %add3A_143 : i32 to index
            %get3A_145 = tpu.vector_load %arg8[%get3A_144] {strides = array<i32>} : memref<1920xi32, #tpu.memory_space<vmem>>, vector<16xi32>,
            %get3A_146 = vector.shape_cast %get3A_145 : vector<16xi32> to vector<16xi32>
            %sub3A_147 = vector.broadcast %mul3A_15 : i32 to vector<16xi32>
            %sub3A_148 = arith.subi %get3A_146, %sub3A_147 : vector<16xi32>
            %ge3A_149 = arith.constant 0 : i32
            %ge3A_150 = vector.broadcast %ge3A_149 : i32 to vector<16xi32>
            %ge3A_151 = arith.cmpi sge, %sub3A_148, %ge3A_150 : vector<16xi32>
            %lt3A_152 = arith.constant 1555200 : i32
            %lt3A_153 = vector.broadcast %lt3A_152 : i32 to vector<16xi32>
            %lt3A_154 = arith.cmpi slt, %sub3A_148, %lt3A_153 : vector<16xi32>
            %and3A_155 = arith.andi %ge3A_151, %lt3A_154 : vector<16xi1>
            %jit3A_156 = arith.constant 0 : i32
            %broadcast_in_dim3A_157 = vector.broadcast %jit3A_156 : i32 to vector<16xi32>
            %select_n3A_158 = arith.select %and3A_155, %sub3A_148, %broadcast_in_dim3A_157 : vector<16xi1>, vector<16xi32>
            %swap3A_159 = arith.index_cast %add3A_143 : i32 to index
            %swap3A_160 = tpu.vector_load %arg10[%swap3A_159] {strides = array<i32>} : memref<1920xi32, #tpu.memory_space<vmem>>, vector<16xi32>,
            %swap3A_161 = vector.shape_cast %swap3A_160 : vector<16xi32> to vector<16xi32>
            %swap3A_162 = vector.shape_cast %select_n3A_158 : vector<16xi32> to vector<16xi32>
            tpu.vector_store %arg10[%swap3A_159], %swap3A_162 {strides = array<i32>} : memref<1920xi32, #tpu.memory_space<vmem>>, vector<16xi32>,
            %jit3A_163 = arith.constant 1.000000e+00 : f32
            %jit3A_164 = arith.constant 0.000000e+00 : f32
            %broadcast_in_dim3A_165 = vector.broadcast %jit3A_163 : f32 to vector<16xf32>
            %broadcast_in_dim3A_166 = vector.broadcast %jit3A_164 : f32 to vector<16xf32>
            %select_n3A_167 = arith.select %and3A_155, %broadcast_in_dim3A_165, %broadcast_in_dim3A_166 : vector<16xi1>, vector<16xf32>
            %swap3A_168 = arith.index_cast %add3A_143 : i32 to index
            %swap3A_169 = tpu.vector_load %arg11[%swap3A_168] {strides = array<i32>} : memref<1920xf32, #tpu.memory_space<vmem>>, vector<16xf32>,
            %swap3A_170 = vector.shape_cast %swap3A_169 : vector<16xf32> to vector<16xf32>
            %swap3A_171 = vector.shape_cast %select_n3A_167 : vector<16xf32> to vector<16xf32>
            tpu.vector_store %arg11[%swap3A_168], %swap3A_171 {strides = array<i32>} : memref<1920xf32, #tpu.memory_space<vmem>>, vector<16xf32>,
            %mul3A_172 = arith.constant 128 : i32
            %mul3A_173 = arith.muli %add3A_52, %mul3A_172 : i32
            %add3A_174 = arith.constant 64 : i32
            %add3A_175 = arith.addi %mul3A_173, %add3A_174 : i32
            %get3A_176 = arith.index_cast %add3A_175 : i32 to index
            %get3A_177 = tpu.vector_load %arg8[%get3A_176] {strides = array<i32>} : memref<1920xi32, #tpu.memory_space<vmem>>, vector<16xi32>,
            %get3A_178 = vector.shape_cast %get3A_177 : vector<16xi32> to vector<16xi32>
            %sub3A_179 = vector.broadcast %mul3A_15 : i32 to vector<16xi32>
            %sub3A_180 = arith.subi %get3A_178, %sub3A_179 : vector<16xi32>
            %ge3A_181 = arith.constant 0 : i32
            %ge3A_182 = vector.broadcast %ge3A_181 : i32 to vector<16xi32>
            %ge3A_183 = arith.cmpi sge, %sub3A_180, %ge3A_182 : vector<16xi32>
            %lt3A_184 = arith.constant 1555200 : i32
            %lt3A_185 = vector.broadcast %lt3A_184 : i32 to vector<16xi32>
            %lt3A_186 = arith.cmpi slt, %sub3A_180, %lt3A_185 : vector<16xi32>
            %and3A_187 = arith.andi %ge3A_183, %lt3A_186 : vector<16xi1>
            %jit3A_188 = arith.constant 0 : i32
            %broadcast_in_dim3A_189 = vector.broadcast %jit3A_188 : i32 to vector<16xi32>
            %select_n3A_190 = arith.select %and3A_187, %sub3A_180, %broadcast_in_dim3A_189 : vector<16xi1>, vector<16xi32>
            %swap3A_191 = arith.index_cast %add3A_175 : i32 to index
            %swap3A_192 = tpu.vector_load %arg10[%swap3A_191] {strides = array<i32>} : memref<1920xi32, #tpu.memory_space<vmem>>, vector<16xi32>,
            %swap3A_193 = vector.shape_cast %swap3A_192 : vector<16xi32> to vector<16xi32>
            %swap3A_194 = vector.shape_cast %select_n3A_190 : vector<16xi32> to vector<16xi32>
            tpu.vector_store %arg10[%swap3A_191], %swap3A_194 {strides = array<i32>} : memref<1920xi32, #tpu.memory_space<vmem>>, vector<16xi32>,
            %jit3A_195 = arith.constant 1.000000e+00 : f32
            %jit3A_196 = arith.constant 0.000000e+00 : f32
            %broadcast_in_dim3A_197 = vector.broadcast %jit3A_195 : f32 to vector<16xf32>
            %broadcast_in_dim3A_198 = vector.broadcast %jit3A_196 : f32 to vector<16xf32>
            %select_n3A_199 = arith.select %and3A_187, %broadcast_in_dim3A_197, %broadcast_in_dim3A_198 : vector<16xi1>, vector<16xf32>
            %swap3A_200 = arith.index_cast %add3A_175 : i32 to index
            %swap3A_201 = tpu.vector_load %arg11[%swap3A_200] {strides = array<i32>} : memref<1920xf32, #tpu.memory_space<vmem>>, vector<16xf32>,
            %swap3A_202 = vector.shape_cast %swap3A_201 : vector<16xf32> to vector<16xf32>
            %swap3A_203 = vector.shape_cast %select_n3A_199 : vector<16xf32> to vector<16xf32>
            tpu.vector_store %arg11[%swap3A_200], %swap3A_203 {strides = array<i32>} : memref<1920xf32, #tpu.memory_space<vmem>>, vector<16xf32>,
            %mul3A_204 = arith.constant 128 : i32
            %mul3A_205 = arith.muli %add3A_52, %mul3A_204 : i32
            %add3A_206 = arith.constant 80 : i32
            %add3A_207 = arith.addi %mul3A_205, %add3A_206 : i32
            %get3A_208 = arith.index_cast %add3A_207 : i32 to index
            %get3A_209 = tpu.vector_load %arg8[%get3A_208] {strides = array<i32>} : memref<1920xi32, #tpu.memory_space<vmem>>, vector<16xi32>,
            %get3A_210 = vector.shape_cast %get3A_209 : vector<16xi32> to vector<16xi32>
            %sub3A_211 = vector.broadcast %mul3A_15 : i32 to vector<16xi32>
            %sub3A_212 = arith.subi %get3A_210, %sub3A_211 : vector<16xi32>
            %ge3A_213 = arith.constant 0 : i32
            %ge3A_214 = vector.broadcast %ge3A_213 : i32 to vector<16xi32>
            %ge3A_215 = arith.cmpi sge, %sub3A_212, %ge3A_214 : vector<16xi32>
            %lt3A_216 = arith.constant 1555200 : i32
            %lt3A_217 = vector.broadcast %lt3A_216 : i32 to vector<16xi32>
            %lt3A_218 = arith.cmpi slt, %sub3A_212, %lt3A_217 : vector<16xi32>
            %and3A_219 = arith.andi %ge3A_215, %lt3A_218 : vector<16xi1>
            %jit3A_220 = arith.constant 0 : i32
            %broadcast_in_dim3A_221 = vector.broadcast %jit3A_220 : i32 to vector<16xi32>
            %select_n3A_222 = arith.select %and3A_219, %sub3A_212, %broadcast_in_dim3A_221 : vector<16xi1>, vector<16xi32>
            %swap3A_223 = arith.index_cast %add3A_207 : i32 to index
            %swap3A_224 = tpu.vector_load %arg10[%swap3A_223] {strides = array<i32>} : memref<1920xi32, #tpu.memory_space<vmem>>, vector<16xi32>,
            %swap3A_225 = vector.shape_cast %swap3A_224 : vector<16xi32> to vector<16xi32>
            %swap3A_226 = vector.shape_cast %select_n3A_222 : vector<16xi32> to vector<16xi32>
            tpu.vector_store %arg10[%swap3A_223], %swap3A_226 {strides = array<i32>} : memref<1920xi32, #tpu.memory_space<vmem>>, vector<16xi32>,
            %jit3A_227 = arith.constant 1.000000e+00 : f32
            %jit3A_228 = arith.constant 0.000000e+00 : f32
            %broadcast_in_dim3A_229 = vector.broadcast %jit3A_227 : f32 to vector<16xf32>
            %broadcast_in_dim3A_230 = vector.broadcast %jit3A_228 : f32 to vector<16xf32>
            %select_n3A_231 = arith.select %and3A_219, %broadcast_in_dim3A_229, %broadcast_in_dim3A_230 : vector<16xi1>, vector<16xf32>
            %swap3A_232 = arith.index_cast %add3A_207 : i32 to index
            %swap3A_233 = tpu.vector_load %arg11[%swap3A_232] {strides = array<i32>} : memref<1920xf32, #tpu.memory_space<vmem>>, vector<16xf32>,
            %swap3A_234 = vector.shape_cast %swap3A_233 : vector<16xf32> to vector<16xf32>
            %swap3A_235 = vector.shape_cast %select_n3A_231 : vector<16xf32> to vector<16xf32>
            tpu.vector_store %arg11[%swap3A_232], %swap3A_235 {strides = array<i32>} : memref<1920xf32, #tpu.memory_space<vmem>>, vector<16xf32>,
            %mul3A_236 = arith.constant 128 : i32
            %mul3A_237 = arith.muli %add3A_52, %mul3A_236 : i32
            %add3A_238 = arith.constant 96 : i32
            %add3A_239 = arith.addi %mul3A_237, %add3A_238 : i32
            %get3A_240 = arith.index_cast %add3A_239 : i32 to index
            %get3A_241 = tpu.vector_load %arg8[%get3A_240] {strides = array<i32>} : memref<1920xi32, #tpu.memory_space<vmem>>, vector<16xi32>,
            %get3A_242 = vector.shape_cast %get3A_241 : vector<16xi32> to vector<16xi32>
            %sub3A_243 = vector.broadcast %mul3A_15 : i32 to vector<16xi32>
            %sub3A_244 = arith.subi %get3A_242, %sub3A_243 : vector<16xi32>
            %ge3A_245 = arith.constant 0 : i32
            %ge3A_246 = vector.broadcast %ge3A_245 : i32 to vector<16xi32>
            %ge3A_247 = arith.cmpi sge, %sub3A_244, %ge3A_246 : vector<16xi32>
            %lt3A_248 = arith.constant 1555200 : i32
            %lt3A_249 = vector.broadcast %lt3A_248 : i32 to vector<16xi32>
            %lt3A_250 = arith.cmpi slt, %sub3A_244, %lt3A_249 : vector<16xi32>
            %and3A_251 = arith.andi %ge3A_247, %lt3A_250 : vector<16xi1>
            %jit3A_252 = arith.constant 0 : i32
            %broadcast_in_dim3A_253 = vector.broadcast %jit3A_252 : i32 to vector<16xi32>
            %select_n3A_254 = arith.select %and3A_251, %sub3A_244, %broadcast_in_dim3A_253 : vector<16xi1>, vector<16xi32>
            %swap3A_255 = arith.index_cast %add3A_239 : i32 to index
            %swap3A_256 = tpu.vector_load %arg10[%swap3A_255] {strides = array<i32>} : memref<1920xi32, #tpu.memory_space<vmem>>, vector<16xi32>,
            %swap3A_257 = vector.shape_cast %swap3A_256 : vector<16xi32> to vector<16xi32>
            %swap3A_258 = vector.shape_cast %select_n3A_254 : vector<16xi32> to vector<16xi32>
            tpu.vector_store %arg10[%swap3A_255], %swap3A_258 {strides = array<i32>} : memref<1920xi32, #tpu.memory_space<vmem>>, vector<16xi32>,
            %jit3A_259 = arith.constant 1.000000e+00 : f32
            %jit3A_260 = arith.constant 0.000000e+00 : f32
            %broadcast_in_dim3A_261 = vector.broadcast %jit3A_259 : f32 to vector<16xf32>
            %broadcast_in_dim3A_262 = vector.broadcast %jit3A_260 : f32 to vector<16xf32>
            %select_n3A_263 = arith.select %and3A_251, %broadcast_in_dim3A_261, %broadcast_in_dim3A_262 : vector<16xi1>, vector<16xf32>
            %swap3A_264 = arith.index_cast %add3A_239 : i32 to index
            %swap3A_265 = tpu.vector_load %arg11[%swap3A_264] {strides = array<i32>} : memref<1920xf32, #tpu.memory_space<vmem>>, vector<16xf32>,
            %swap3A_266 = vector.shape_cast %swap3A_265 : vector<16xf32> to vector<16xf32>
            %swap3A_267 = vector.shape_cast %select_n3A_263 : vector<16xf32> to vector<16xf32>
            tpu.vector_store %arg11[%swap3A_264], %swap3A_267 {strides = array<i32>} : memref<1920xf32, #tpu.memory_space<vmem>>, vector<16xf32>,
            %mul3A_268 = arith.constant 128 : i32
            %mul3A_269 = arith.muli %add3A_52, %mul3A_268 : i32
            %add3A_270 = arith.constant 112 : i32
            %add3A_271 = arith.addi %mul3A_269, %add3A_270 : i32
            %get3A_272 = arith.index_cast %add3A_271 : i32 to index
            %get3A_273 = tpu.vector_load %arg8[%get3A_272] {strides = array<i32>} : memref<1920xi32, #tpu.memory_space<vmem>>, vector<16xi32>,
            %get3A_274 = vector.shape_cast %get3A_273 : vector<16xi32> to vector<16xi32>
            %sub3A_275 = vector.broadcast %mul3A_15 : i32 to vector<16xi32>
            %sub3A_276 = arith.subi %get3A_274, %sub3A_275 : vector<16xi32>
            %ge3A_277 = arith.constant 0 : i32
            %ge3A_278 = vector.broadcast %ge3A_277 : i32 to vector<16xi32>
            %ge3A_279 = arith.cmpi sge, %sub3A_276, %ge3A_278 : vector<16xi32>
            %lt3A_280 = arith.constant 1555200 : i32
            %lt3A_281 = vector.broadcast %lt3A_280 : i32 to vector<16xi32>
            %lt3A_282 = arith.cmpi slt, %sub3A_276, %lt3A_281 : vector<16xi32>
            %and3A_283 = arith.andi %ge3A_279, %lt3A_282 : vector<16xi1>
            %jit3A_284 = arith.constant 0 : i32
            %broadcast_in_dim3A_285 = vector.broadcast %jit3A_284 : i32 to vector<16xi32>
            %select_n3A_286 = arith.select %and3A_283, %sub3A_276, %broadcast_in_dim3A_285 : vector<16xi1>, vector<16xi32>
            %swap3A_287 = arith.index_cast %add3A_271 : i32 to index
            %swap3A_288 = tpu.vector_load %arg10[%swap3A_287] {strides = array<i32>} : memref<1920xi32, #tpu.memory_space<vmem>>, vector<16xi32>,
            %swap3A_289 = vector.shape_cast %swap3A_288 : vector<16xi32> to vector<16xi32>
            %swap3A_290 = vector.shape_cast %select_n3A_286 : vector<16xi32> to vector<16xi32>
            tpu.vector_store %arg10[%swap3A_287], %swap3A_290 {strides = array<i32>} : memref<1920xi32, #tpu.memory_space<vmem>>, vector<16xi32>,
            %jit3A_291 = arith.constant 1.000000e+00 : f32
            %jit3A_292 = arith.constant 0.000000e+00 : f32
            %broadcast_in_dim3A_293 = vector.broadcast %jit3A_291 : f32 to vector<16xf32>
            %broadcast_in_dim3A_294 = vector.broadcast %jit3A_292 : f32 to vector<16xf32>
            %select_n3A_295 = arith.select %and3A_283, %broadcast_in_dim3A_293, %broadcast_in_dim3A_294 : vector<16xi1>, vector<16xf32>
            %swap3A_296 = arith.index_cast %add3A_271 : i32 to index
            %swap3A_297 = tpu.vector_load %arg11[%swap3A_296] {strides = array<i32>} : memref<1920xf32, #tpu.memory_space<vmem>>, vector<16xf32>,
            %swap3A_298 = vector.shape_cast %swap3A_297 : vector<16xf32> to vector<16xf32>
            %swap3A_299 = vector.shape_cast %select_n3A_295 : vector<16xf32> to vector<16xf32>
            tpu.vector_store %arg11[%swap3A_296], %swap3A_299 {strides = array<i32>} : memref<1920xf32, #tpu.memory_space<vmem>>, vector<16xf32>,
          }
          %scan3A_47 = arith.constant 15 : i32
          "tpu.region"() ({
            %run_scoped3A = tpu.sem_alloc : memref<!tpu.dma_semaphore, #tpu.memory_space<semaphore_mem>>
            %dma_start3A = arith.constant 0 : i32
            %dma_start3A_48 = tpu.memref_slice %arg14[%dma_start3A] : memref<1555200xf32, #tpu.memory_space<vmem_shared>> -> memref<1555200xf32, #tpu.memory_space<vmem_shared>>
            tpu.enqueue_indirect_dma source(%arg11 : memref<1920xf32, #tpu.memory_space<vmem>>) target(%dma_start3A_48 : memref<1555200xf32, #tpu.memory_space<vmem_shared>>) offsets(%arg10 : memref<1920xi32, #tpu.memory_space<vmem>>) semaphore(%run_scoped3A : memref<!tpu.dma_semaphore, #tpu.memory_space<semaphore_mem>>) {add = true}
            %dma_wait3A = arith.constant 0 : i32
            %dma_wait3A_49 = tpu.memref_slice %arg14[%dma_wait3A] : memref<1555200xf32, #tpu.memory_space<vmem_shared>> -> memref<1555200xf32, #tpu.memory_space<vmem_shared>>
            tpu.wait_indirect_dma semaphore(%run_scoped3A : memref<!tpu.dma_semaphore, #tpu.memory_space<semaphore_mem>>) src(%arg11 : memref<1920xf32, #tpu.memory_space<vmem>>) dst(%dma_wait3A_49 : memref<1555200xf32, #tpu.memory_space<vmem_shared>>)
            tpu.yield
          }) : () -> ()
        }
        %scan3A_25 = arith.constant 48 : i32
        %barrier3A_26 = arith.constant 0 : index
        tpu.barrier barrier_id(%barrier3A_26)
        %scan3A_27 = arith.constant 0 : i32
        %scan3A_28 = arith.constant 9 : i32
        %scan3A_29 = arith.addi %scan3A_27, %scan3A_28 : i32
        %scan3A_30 = arith.constant 1 : i32
        scf.for %scan3A_33 = %scan3A_27 to %scan3A_29 step %scan3A_30  : i32 {
          %mul3A_34 = arith.constant 1 : i32
          %mul3A_35 = arith.muli %scan3A_33, %mul3A_34 : i32
          %add3A_36 = arith.constant 0 : i32
          %add3A_37 = arith.addi %add3A_36, %mul3A_35 : i32
          %mul3A_38 = arith.constant 9 : i32
          %mul3A_39 = arith.muli %arg1, %mul3A_38 : i32
          %add3A_40 = arith.addi %mul3A_39, %add3A_37 : i32
          %mul3A_41 = arith.constant 10800 : i32
          %mul3A_42 = arith.muli %add3A_40, %mul3A_41 : i32
          %add3A_43 = arith.addi %mul3A_15, %mul3A_42 : i32
          %add3A_44 = arith.constant 10800 : i32
          %add3A_45 = arith.addi %add3A_43, %add3A_44 : i32
          %le3A = arith.constant 16588800 : i32
          %le3A_46 = arith.cmpi sle, %add3A_45, %le3A : i32
          %convert_element_type3A_47 = arith.extui %le3A_46 : i1 to i32
          %cond3A_48 = arith.constant 0 : i32
          %cond3A_49 = arith.cmpi ne, %convert_element_type3A_47, %cond3A_48 : i32
          scf.if %cond3A_49 {
            "tpu.region"() ({
              %run_scoped3A = tpu.sem_alloc : memref<!tpu.dma_semaphore, #tpu.memory_space<semaphore_mem>>
              %dma_start3A = tpu.memref_slice %arg14[%mul3A_42] : memref<1555200xf32, #tpu.memory_space<vmem_shared>> -> memref<10800xf32, #tpu.memory_space<vmem_shared>>
              %dma_start3A_51 = tpu.memref_slice %arg14[%mul3A_42] : memref<1555200xf32, #tpu.memory_space<vmem_shared>> -> memref<10800xf32, #tpu.memory_space<vmem_shared>>
              tpu.enqueue_dma source(%dma_start3A_51 : memref<10800xf32, #tpu.memory_space<vmem_shared>>) target(%arg13 : memref<10800xf32, #tpu.memory_space<vmem>>) target_semaphore(%run_scoped3A : memref<!tpu.dma_semaphore, #tpu.memory_space<semaphore_mem>>)
              %dma_wait3A = tpu.memref_slice %arg14[%mul3A_42] : memref<1555200xf32, #tpu.memory_space<vmem_shared>> -> memref<10800xf32, #tpu.memory_space<vmem_shared>>
              %dma_wait3A_52 = tpu.memref_slice %arg14[%mul3A_42] : memref<1555200xf32, #tpu.memory_space<vmem_shared>> -> memref<10800xf32, #tpu.memory_space<vmem_shared>>
              tpu.wait_dma2 semaphore(%run_scoped3A : memref<!tpu.dma_semaphore, #tpu.memory_space<semaphore_mem>>) src(%dma_wait3A_52 : memref<10800xf32, #tpu.memory_space<vmem_shared>>) dst(%arg13 : memref<10800xf32, #tpu.memory_space<vmem>>)
              tpu.yield
            }) : () -> ()
            %add3A_50 = arith.addi %mul3A_15, %mul3A_42 : i32
            "tpu.region"() ({
              %run_scoped3A = tpu.sem_alloc : memref<!tpu.dma_semaphore, #tpu.memory_space<semaphore_mem>>
              %dma_start3A = tpu.memref_slice %arg6[%add3A_50] : memref<16588800xf32, #tpu.memory_space<hbm>> -> memref<10800xf32, #tpu.memory_space<hbm>>
              %dma_start3A_51 = tpu.memref_slice %arg6[%add3A_50] : memref<16588800xf32, #tpu.memory_space<hbm>> -> memref<10800xf32, #tpu.memory_space<hbm>>
              tpu.enqueue_dma source(%arg13 : memref<10800xf32, #tpu.memory_space<vmem>>) target(%dma_start3A_51 : memref<10800xf32, #tpu.memory_space<hbm>>) target_semaphore(%run_scoped3A : memref<!tpu.dma_semaphore, #tpu.memory_space<semaphore_mem>>)
              %dma_wait3A = tpu.memref_slice %arg6[%add3A_50] : memref<16588800xf32, #tpu.memory_space<hbm>> -> memref<10800xf32, #tpu.memory_space<hbm>>
              %dma_wait3A_52 = tpu.memref_slice %arg6[%add3A_50] : memref<16588800xf32, #tpu.memory_space<hbm>> -> memref<10800xf32, #tpu.memory_space<hbm>>
              tpu.wait_dma2 semaphore(%run_scoped3A : memref<!tpu.dma_semaphore, #tpu.memory_space<semaphore_mem>>) src(%arg13 : memref<10800xf32, #tpu.memory_space<vmem>>) dst(%dma_wait3A_52 : memref<10800xf32, #tpu.memory_space<hbm>>)
              tpu.yield
            }) : () -> ()
          } else {
          }
        }
        %scan3A_31 = arith.constant 9 : i32
        %barrier3A_32 = arith.constant 0 : index
        tpu.barrier barrier_id(%barrier3A_32)
      }
      %scan3A_10 = arith.constant 11 : i32
    } else {
    }
    %eq3A_2 = arith.constant 1 : i32
    %eq3A_3 = arith.cmpi eq, %arg0, %eq3A_2 : i32
    %convert_element_type3A_4 = arith.extui %eq3A_3 : i1 to i32
    %cond3A_5 = arith.constant 0 : i32
    %cond3A_6 = arith.cmpi ne, %convert_element_type3A_4, %cond3A_5 : i32
    scf.if %cond3A_6 {
      %scan3A = arith.constant 0 : i32
      %scan3A_7 = arith.constant 11 : i32
      %scan3A_8 = arith.addi %scan3A, %scan3A_7 : i32
      %scan3A_9 = arith.constant 1 : i32
      scf.for %scan3A_11 = %scan3A to %scan3A_8 step %scan3A_9  : i32 {
        %mul3A = arith.constant 1 : i32
        %mul3A_12 = arith.muli %scan3A_11, %mul3A : i32
        %add3A = arith.constant 0 : i32
        %add3A_13 = arith.addi %add3A, %mul3A_12 : i32
        %mul3A_14 = arith.constant 1555200 : i32
        %mul3A_15 = arith.muli %add3A_13, %mul3A_14 : i32
        %scan3A_16 = arith.constant 0 : i32
        %scan3A_17 = arith.constant 9 : i32
        %scan3A_18 = arith.addi %scan3A_16, %scan3A_17 : i32
        %scan3A_19 = arith.constant 1 : i32
        scf.for %scan3A_33 = %scan3A_16 to %scan3A_18 step %scan3A_19  : i32 {
          %mul3A_34 = arith.constant 1 : i32
          %mul3A_35 = arith.muli %scan3A_33, %mul3A_34 : i32
          %add3A_36 = arith.constant 0 : i32
          %add3A_37 = arith.addi %add3A_36, %mul3A_35 : i32
          %mul3A_38 = arith.constant 9 : i32
          %mul3A_39 = arith.muli %arg1, %mul3A_38 : i32
          %add3A_40 = arith.addi %mul3A_39, %add3A_37 : i32
          %mul3A_41 = arith.constant 10800 : i32
          %mul3A_42 = arith.muli %add3A_40, %mul3A_41 : i32
          "tpu.region"() ({
            %run_scoped3A = tpu.sem_alloc : memref<!tpu.dma_semaphore, #tpu.memory_space<semaphore_mem>>
            %dma_start3A = tpu.memref_slice %arg14[%mul3A_42] : memref<1555200xf32, #tpu.memory_space<vmem_shared>> -> memref<10800xf32, #tpu.memory_space<vmem_shared>>
            %dma_start3A_43 = tpu.memref_slice %arg14[%mul3A_42] : memref<1555200xf32, #tpu.memory_space<vmem_shared>> -> memref<10800xf32, #tpu.memory_space<vmem_shared>>
            tpu.enqueue_dma source(%arg12 : memref<10800xf32, #tpu.memory_space<vmem>>) target(%dma_start3A_43 : memref<10800xf32, #tpu.memory_space<vmem_shared>>) target_semaphore(%run_scoped3A : memref<!tpu.dma_semaphore, #tpu.memory_space<semaphore_mem>>)
            %dma_wait3A = tpu.memref_slice %arg14[%mul3A_42] : memref<1555200xf32, #tpu.memory_space<vmem_shared>> -> memref<10800xf32, #tpu.memory_space<vmem_shared>>
            %dma_wait3A_44 = tpu.memref_slice %arg14[%mul3A_42] : memref<1555200xf32, #tpu.memory_space<vmem_shared>> -> memref<10800xf32, #tpu.memory_space<vmem_shared>>
            tpu.wait_dma2 semaphore(%run_scoped3A : memref<!tpu.dma_semaphore, #tpu.memory_space<semaphore_mem>>) src(%arg12 : memref<10800xf32, #tpu.memory_space<vmem>>) dst(%dma_wait3A_44 : memref<10800xf32, #tpu.memory_space<vmem_shared>>)
            tpu.yield
          }) : () -> ()
        }
        %scan3A_20 = arith.constant 9 : i32
        %barrier3A = arith.constant 0 : index
        tpu.barrier barrier_id(%barrier3A)
        %scan3A_21 = arith.constant 0 : i32
        %scan3A_22 = arith.constant 48 : i32
        %scan3A_23 = arith.addi %scan3A_21, %scan3A_22 : i32
        %scan3A_24 = arith.constant 1 : i32
        scf.for %scan3A_33 = %scan3A_21 to %scan3A_23 step %scan3A_24  : i32 {
          %mul3A_34 = arith.constant 1 : i32
          %mul3A_35 = arith.muli %scan3A_33, %mul3A_34 : i32
          %add3A_36 = arith.constant 0 : i32
          %add3A_37 = arith.addi %add3A_36, %mul3A_35 : i32
          %mul3A_38 = arith.constant 92160 : i32
          %mul3A_39 = arith.muli %arg1, %mul3A_38 : i32
          %mul3A_40 = arith.constant 1920 : i32
          %mul3A_41 = arith.muli %add3A_37, %mul3A_40 : i32
          %add3A_42 = arith.addi %mul3A_39, %mul3A_41 : i32
          "tpu.region"() ({
            %run_scoped3A = tpu.sem_alloc : memref<!tpu.dma_semaphore, #tpu.memory_space<semaphore_mem>>
            %dma_start3A = tpu.memref_slice %arg3[%add3A_42] : memref<1474560xi32, #tpu.memory_space<hbm>> -> memref<1920xi32, #tpu.memory_space<hbm>>
            %dma_start3A_48 = tpu.memref_slice %arg3[%add3A_42] : memref<1474560xi32, #tpu.memory_space<hbm>> -> memref<1920xi32, #tpu.memory_space<hbm>>
            tpu.enqueue_dma source(%dma_start3A_48 : memref<1920xi32, #tpu.memory_space<hbm>>) target(%arg8 : memref<1920xi32, #tpu.memory_space<vmem>>) target_semaphore(%run_scoped3A : memref<!tpu.dma_semaphore, #tpu.memory_space<semaphore_mem>>)
            %dma_wait3A = tpu.memref_slice %arg3[%add3A_42] : memref<1474560xi32, #tpu.memory_space<hbm>> -> memref<1920xi32, #tpu.memory_space<hbm>>
            %dma_wait3A_49 = tpu.memref_slice %arg3[%add3A_42] : memref<1474560xi32, #tpu.memory_space<hbm>> -> memref<1920xi32, #tpu.memory_space<hbm>>
            tpu.wait_dma2 semaphore(%run_scoped3A : memref<!tpu.dma_semaphore, #tpu.memory_space<semaphore_mem>>) src(%dma_wait3A_49 : memref<1920xi32, #tpu.memory_space<hbm>>) dst(%arg8 : memref<1920xi32, #tpu.memory_space<vmem>>)
            tpu.yield
          }) : () -> ()
          "tpu.region"() ({
            %run_scoped3A = tpu.sem_alloc : memref<!tpu.dma_semaphore, #tpu.memory_space<semaphore_mem>>
            %dma_start3A = tpu.memref_slice %arg4[%add3A_42] : memref<1474560xf32, #tpu.memory_space<hbm>> -> memref<1920xf32, #tpu.memory_space<hbm>>
            %dma_start3A_48 = tpu.memref_slice %arg4[%add3A_42] : memref<1474560xf32, #tpu.memory_space<hbm>> -> memref<1920xf32, #tpu.memory_space<hbm>>
            tpu.enqueue_dma source(%dma_start3A_48 : memref<1920xf32, #tpu.memory_space<hbm>>) target(%arg9 : memref<1920xf32, #tpu.memory_space<vmem>>) target_semaphore(%run_scoped3A : memref<!tpu.dma_semaphore, #tpu.memory_space<semaphore_mem>>)
            %dma_wait3A = tpu.memref_slice %arg4[%add3A_42] : memref<1474560xf32, #tpu.memory_space<hbm>> -> memref<1920xf32, #tpu.memory_space<hbm>>
            %dma_wait3A_49 = tpu.memref_slice %arg4[%add3A_42] : memref<1474560xf32, #tpu.memory_space<hbm>> -> memref<1920xf32, #tpu.memory_space<hbm>>
            tpu.wait_dma2 semaphore(%run_scoped3A : memref<!tpu.dma_semaphore, #tpu.memory_space<semaphore_mem>>) src(%dma_wait3A_49 : memref<1920xf32, #tpu.memory_space<hbm>>) dst(%arg9 : memref<1920xf32, #tpu.memory_space<vmem>>)
            tpu.yield
          }) : () -> ()
          %scan3A_43 = arith.constant 0 : i32
          %scan3A_44 = arith.constant 15 : i32
          %scan3A_45 = arith.addi %scan3A_43, %scan3A_44 : i32
          %scan3A_46 = arith.constant 1 : i32
          scf.for %scan3A_48 = %scan3A_43 to %scan3A_45 step %scan3A_46  : i32 {
            %mul3A_49 = arith.constant 1 : i32
            %mul3A_50 = arith.muli %scan3A_48, %mul3A_49 : i32
            %add3A_51 = arith.constant 0 : i32
            %add3A_52 = arith.addi %add3A_51, %mul3A_50 : i32
            %mul3A_53 = arith.constant 128 : i32
            %mul3A_54 = arith.muli %add3A_52, %mul3A_53 : i32
            %add3A_55 = arith.constant 0 : i32
            %add3A_56 = arith.addi %mul3A_54, %add3A_55 : i32
            %get3A = arith.index_cast %add3A_56 : i32 to index
            %get3A_57 = tpu.vector_load %arg8[%get3A] {strides = array<i32>} : memref<1920xi32, #tpu.memory_space<vmem>>, vector<16xi32>,
            %get3A_58 = vector.shape_cast %get3A_57 : vector<16xi32> to vector<16xi32>
            %sub3A = vector.broadcast %mul3A_15 : i32 to vector<16xi32>
            %sub3A_59 = arith.subi %get3A_58, %sub3A : vector<16xi32>
            %ge3A = arith.constant 0 : i32
            %ge3A_60 = vector.broadcast %ge3A : i32 to vector<16xi32>
            %ge3A_61 = arith.cmpi sge, %sub3A_59, %ge3A_60 : vector<16xi32>
            %lt3A = arith.constant 1555200 : i32
            %lt3A_62 = vector.broadcast %lt3A : i32 to vector<16xi32>
            %lt3A_63 = arith.cmpi slt, %sub3A_59, %lt3A_62 : vector<16xi32>
            %and3A = arith.andi %ge3A_61, %lt3A_63 : vector<16xi1>
            %jit3A = arith.constant 0 : i32
            %broadcast_in_dim3A = vector.broadcast %jit3A : i32 to vector<16xi32>
            %select_n3A = arith.select %and3A, %sub3A_59, %broadcast_in_dim3A : vector<16xi1>, vector<16xi32>
            %swap3A = arith.index_cast %add3A_56 : i32 to index
            %swap3A_64 = tpu.vector_load %arg10[%swap3A] {strides = array<i32>} : memref<1920xi32, #tpu.memory_space<vmem>>, vector<16xi32>,
            %swap3A_65 = vector.shape_cast %swap3A_64 : vector<16xi32> to vector<16xi32>
            %swap3A_66 = vector.shape_cast %select_n3A : vector<16xi32> to vector<16xi32>
            tpu.vector_store %arg10[%swap3A], %swap3A_66 {strides = array<i32>} : memref<1920xi32, #tpu.memory_space<vmem>>, vector<16xi32>,
            %get3A_67 = arith.index_cast %add3A_56 : i32 to index
            %get3A_68 = tpu.vector_load %arg9[%get3A_67] {strides = array<i32>} : memref<1920xf32, #tpu.memory_space<vmem>>, vector<16xf32>,
            %get3A_69 = vector.shape_cast %get3A_68 : vector<16xf32> to vector<16xf32>
            %jit3A_70 = arith.constant 0.000000e+00 : f32
            %broadcast_in_dim3A_71 = vector.broadcast %jit3A_70 : f32 to vector<16xf32>
            %select_n3A_72 = arith.select %and3A, %get3A_69, %broadcast_in_dim3A_71 : vector<16xi1>, vector<16xf32>
            %swap3A_73 = arith.index_cast %add3A_56 : i32 to index
            %swap3A_74 = tpu.vector_load %arg11[%swap3A_73] {strides = array<i32>} : memref<1920xf32, #tpu.memory_space<vmem>>, vector<16xf32>,
            %swap3A_75 = vector.shape_cast %swap3A_74 : vector<16xf32> to vector<16xf32>
            %swap3A_76 = vector.shape_cast %select_n3A_72 : vector<16xf32> to vector<16xf32>
            tpu.vector_store %arg11[%swap3A_73], %swap3A_76 {strides = array<i32>} : memref<1920xf32, #tpu.memory_space<vmem>>, vector<16xf32>,
            %mul3A_77 = arith.constant 128 : i32
            %mul3A_78 = arith.muli %add3A_52, %mul3A_77 : i32
            %add3A_79 = arith.constant 16 : i32
            %add3A_80 = arith.addi %mul3A_78, %add3A_79 : i32
            %get3A_81 = arith.index_cast %add3A_80 : i32 to index
            %get3A_82 = tpu.vector_load %arg8[%get3A_81] {strides = array<i32>} : memref<1920xi32, #tpu.memory_space<vmem>>, vector<16xi32>,
            %get3A_83 = vector.shape_cast %get3A_82 : vector<16xi32> to vector<16xi32>
            %sub3A_84 = vector.broadcast %mul3A_15 : i32 to vector<16xi32>
            %sub3A_85 = arith.subi %get3A_83, %sub3A_84 : vector<16xi32>
            %ge3A_86 = arith.constant 0 : i32
            %ge3A_87 = vector.broadcast %ge3A_86 : i32 to vector<16xi32>
            %ge3A_88 = arith.cmpi sge, %sub3A_85, %ge3A_87 : vector<16xi32>
            %lt3A_89 = arith.constant 1555200 : i32
            %lt3A_90 = vector.broadcast %lt3A_89 : i32 to vector<16xi32>
            %lt3A_91 = arith.cmpi slt, %sub3A_85, %lt3A_90 : vector<16xi32>
            %and3A_92 = arith.andi %ge3A_88, %lt3A_91 : vector<16xi1>
            %jit3A_93 = arith.constant 0 : i32
            %broadcast_in_dim3A_94 = vector.broadcast %jit3A_93 : i32 to vector<16xi32>
            %select_n3A_95 = arith.select %and3A_92, %sub3A_85, %broadcast_in_dim3A_94 : vector<16xi1>, vector<16xi32>
            %swap3A_96 = arith.index_cast %add3A_80 : i32 to index
            %swap3A_97 = tpu.vector_load %arg10[%swap3A_96] {strides = array<i32>} : memref<1920xi32, #tpu.memory_space<vmem>>, vector<16xi32>,
            %swap3A_98 = vector.shape_cast %swap3A_97 : vector<16xi32> to vector<16xi32>
            %swap3A_99 = vector.shape_cast %select_n3A_95 : vector<16xi32> to vector<16xi32>
            tpu.vector_store %arg10[%swap3A_96], %swap3A_99 {strides = array<i32>} : memref<1920xi32, #tpu.memory_space<vmem>>, vector<16xi32>,
            %get3A_100 = arith.index_cast %add3A_80 : i32 to index
            %get3A_101 = tpu.vector_load %arg9[%get3A_100] {strides = array<i32>} : memref<1920xf32, #tpu.memory_space<vmem>>, vector<16xf32>,
            %get3A_102 = vector.shape_cast %get3A_101 : vector<16xf32> to vector<16xf32>
            %jit3A_103 = arith.constant 0.000000e+00 : f32
            %broadcast_in_dim3A_104 = vector.broadcast %jit3A_103 : f32 to vector<16xf32>
            %select_n3A_105 = arith.select %and3A_92, %get3A_102, %broadcast_in_dim3A_104 : vector<16xi1>, vector<16xf32>
            %swap3A_106 = arith.index_cast %add3A_80 : i32 to index
            %swap3A_107 = tpu.vector_load %arg11[%swap3A_106] {strides = array<i32>} : memref<1920xf32, #tpu.memory_space<vmem>>, vector<16xf32>,
            %swap3A_108 = vector.shape_cast %swap3A_107 : vector<16xf32> to vector<16xf32>
            %swap3A_109 = vector.shape_cast %select_n3A_105 : vector<16xf32> to vector<16xf32>
            tpu.vector_store %arg11[%swap3A_106], %swap3A_109 {strides = array<i32>} : memref<1920xf32, #tpu.memory_space<vmem>>, vector<16xf32>,
            %mul3A_110 = arith.constant 128 : i32
            %mul3A_111 = arith.muli %add3A_52, %mul3A_110 : i32
            %add3A_112 = arith.constant 32 : i32
            %add3A_113 = arith.addi %mul3A_111, %add3A_112 : i32
            %get3A_114 = arith.index_cast %add3A_113 : i32 to index
            %get3A_115 = tpu.vector_load %arg8[%get3A_114] {strides = array<i32>} : memref<1920xi32, #tpu.memory_space<vmem>>, vector<16xi32>,
            %get3A_116 = vector.shape_cast %get3A_115 : vector<16xi32> to vector<16xi32>
            %sub3A_117 = vector.broadcast %mul3A_15 : i32 to vector<16xi32>
            %sub3A_118 = arith.subi %get3A_116, %sub3A_117 : vector<16xi32>
            %ge3A_119 = arith.constant 0 : i32
            %ge3A_120 = vector.broadcast %ge3A_119 : i32 to vector<16xi32>
            %ge3A_121 = arith.cmpi sge, %sub3A_118, %ge3A_120 : vector<16xi32>
            %lt3A_122 = arith.constant 1555200 : i32
            %lt3A_123 = vector.broadcast %lt3A_122 : i32 to vector<16xi32>
            %lt3A_124 = arith.cmpi slt, %sub3A_118, %lt3A_123 : vector<16xi32>
            %and3A_125 = arith.andi %ge3A_121, %lt3A_124 : vector<16xi1>
            %jit3A_126 = arith.constant 0 : i32
            %broadcast_in_dim3A_127 = vector.broadcast %jit3A_126 : i32 to vector<16xi32>
            %select_n3A_128 = arith.select %and3A_125, %sub3A_118, %broadcast_in_dim3A_127 : vector<16xi1>, vector<16xi32>
            %swap3A_129 = arith.index_cast %add3A_113 : i32 to index
            %swap3A_130 = tpu.vector_load %arg10[%swap3A_129] {strides = array<i32>} : memref<1920xi32, #tpu.memory_space<vmem>>, vector<16xi32>,
            %swap3A_131 = vector.shape_cast %swap3A_130 : vector<16xi32> to vector<16xi32>
            %swap3A_132 = vector.shape_cast %select_n3A_128 : vector<16xi32> to vector<16xi32>
            tpu.vector_store %arg10[%swap3A_129], %swap3A_132 {strides = array<i32>} : memref<1920xi32, #tpu.memory_space<vmem>>, vector<16xi32>,
            %get3A_133 = arith.index_cast %add3A_113 : i32 to index
            %get3A_134 = tpu.vector_load %arg9[%get3A_133] {strides = array<i32>} : memref<1920xf32, #tpu.memory_space<vmem>>, vector<16xf32>,
            %get3A_135 = vector.shape_cast %get3A_134 : vector<16xf32> to vector<16xf32>
            %jit3A_136 = arith.constant 0.000000e+00 : f32
            %broadcast_in_dim3A_137 = vector.broadcast %jit3A_136 : f32 to vector<16xf32>
            %select_n3A_138 = arith.select %and3A_125, %get3A_135, %broadcast_in_dim3A_137 : vector<16xi1>, vector<16xf32>
            %swap3A_139 = arith.index_cast %add3A_113 : i32 to index
            %swap3A_140 = tpu.vector_load %arg11[%swap3A_139] {strides = array<i32>} : memref<1920xf32, #tpu.memory_space<vmem>>, vector<16xf32>,
            %swap3A_141 = vector.shape_cast %swap3A_140 : vector<16xf32> to vector<16xf32>
            %swap3A_142 = vector.shape_cast %select_n3A_138 : vector<16xf32> to vector<16xf32>
            tpu.vector_store %arg11[%swap3A_139], %swap3A_142 {strides = array<i32>} : memref<1920xf32, #tpu.memory_space<vmem>>, vector<16xf32>,
            %mul3A_143 = arith.constant 128 : i32
            %mul3A_144 = arith.muli %add3A_52, %mul3A_143 : i32
            %add3A_145 = arith.constant 48 : i32
            %add3A_146 = arith.addi %mul3A_144, %add3A_145 : i32
            %get3A_147 = arith.index_cast %add3A_146 : i32 to index
            %get3A_148 = tpu.vector_load %arg8[%get3A_147] {strides = array<i32>} : memref<1920xi32, #tpu.memory_space<vmem>>, vector<16xi32>,
            %get3A_149 = vector.shape_cast %get3A_148 : vector<16xi32> to vector<16xi32>
            %sub3A_150 = vector.broadcast %mul3A_15 : i32 to vector<16xi32>
            %sub3A_151 = arith.subi %get3A_149, %sub3A_150 : vector<16xi32>
            %ge3A_152 = arith.constant 0 : i32
            %ge3A_153 = vector.broadcast %ge3A_152 : i32 to vector<16xi32>
            %ge3A_154 = arith.cmpi sge, %sub3A_151, %ge3A_153 : vector<16xi32>
            %lt3A_155 = arith.constant 1555200 : i32
            %lt3A_156 = vector.broadcast %lt3A_155 : i32 to vector<16xi32>
            %lt3A_157 = arith.cmpi slt, %sub3A_151, %lt3A_156 : vector<16xi32>
            %and3A_158 = arith.andi %ge3A_154, %lt3A_157 : vector<16xi1>
            %jit3A_159 = arith.constant 0 : i32
            %broadcast_in_dim3A_160 = vector.broadcast %jit3A_159 : i32 to vector<16xi32>
            %select_n3A_161 = arith.select %and3A_158, %sub3A_151, %broadcast_in_dim3A_160 : vector<16xi1>, vector<16xi32>
            %swap3A_162 = arith.index_cast %add3A_146 : i32 to index
            %swap3A_163 = tpu.vector_load %arg10[%swap3A_162] {strides = array<i32>} : memref<1920xi32, #tpu.memory_space<vmem>>, vector<16xi32>,
            %swap3A_164 = vector.shape_cast %swap3A_163 : vector<16xi32> to vector<16xi32>
            %swap3A_165 = vector.shape_cast %select_n3A_161 : vector<16xi32> to vector<16xi32>
            tpu.vector_store %arg10[%swap3A_162], %swap3A_165 {strides = array<i32>} : memref<1920xi32, #tpu.memory_space<vmem>>, vector<16xi32>,
            %get3A_166 = arith.index_cast %add3A_146 : i32 to index
            %get3A_167 = tpu.vector_load %arg9[%get3A_166] {strides = array<i32>} : memref<1920xf32, #tpu.memory_space<vmem>>, vector<16xf32>,
            %get3A_168 = vector.shape_cast %get3A_167 : vector<16xf32> to vector<16xf32>
            %jit3A_169 = arith.constant 0.000000e+00 : f32
            %broadcast_in_dim3A_170 = vector.broadcast %jit3A_169 : f32 to vector<16xf32>
            %select_n3A_171 = arith.select %and3A_158, %get3A_168, %broadcast_in_dim3A_170 : vector<16xi1>, vector<16xf32>
            %swap3A_172 = arith.index_cast %add3A_146 : i32 to index
            %swap3A_173 = tpu.vector_load %arg11[%swap3A_172] {strides = array<i32>} : memref<1920xf32, #tpu.memory_space<vmem>>, vector<16xf32>,
            %swap3A_174 = vector.shape_cast %swap3A_173 : vector<16xf32> to vector<16xf32>
            %swap3A_175 = vector.shape_cast %select_n3A_171 : vector<16xf32> to vector<16xf32>
            tpu.vector_store %arg11[%swap3A_172], %swap3A_175 {strides = array<i32>} : memref<1920xf32, #tpu.memory_space<vmem>>, vector<16xf32>,
            %mul3A_176 = arith.constant 128 : i32
            %mul3A_177 = arith.muli %add3A_52, %mul3A_176 : i32
            %add3A_178 = arith.constant 64 : i32
            %add3A_179 = arith.addi %mul3A_177, %add3A_178 : i32
            %get3A_180 = arith.index_cast %add3A_179 : i32 to index
            %get3A_181 = tpu.vector_load %arg8[%get3A_180] {strides = array<i32>} : memref<1920xi32, #tpu.memory_space<vmem>>, vector<16xi32>,
            %get3A_182 = vector.shape_cast %get3A_181 : vector<16xi32> to vector<16xi32>
            %sub3A_183 = vector.broadcast %mul3A_15 : i32 to vector<16xi32>
            %sub3A_184 = arith.subi %get3A_182, %sub3A_183 : vector<16xi32>
            %ge3A_185 = arith.constant 0 : i32
            %ge3A_186 = vector.broadcast %ge3A_185 : i32 to vector<16xi32>
            %ge3A_187 = arith.cmpi sge, %sub3A_184, %ge3A_186 : vector<16xi32>
            %lt3A_188 = arith.constant 1555200 : i32
            %lt3A_189 = vector.broadcast %lt3A_188 : i32 to vector<16xi32>
            %lt3A_190 = arith.cmpi slt, %sub3A_184, %lt3A_189 : vector<16xi32>
            %and3A_191 = arith.andi %ge3A_187, %lt3A_190 : vector<16xi1>
            %jit3A_192 = arith.constant 0 : i32
            %broadcast_in_dim3A_193 = vector.broadcast %jit3A_192 : i32 to vector<16xi32>
            %select_n3A_194 = arith.select %and3A_191, %sub3A_184, %broadcast_in_dim3A_193 : vector<16xi1>, vector<16xi32>
            %swap3A_195 = arith.index_cast %add3A_179 : i32 to index
            %swap3A_196 = tpu.vector_load %arg10[%swap3A_195] {strides = array<i32>} : memref<1920xi32, #tpu.memory_space<vmem>>, vector<16xi32>,
            %swap3A_197 = vector.shape_cast %swap3A_196 : vector<16xi32> to vector<16xi32>
            %swap3A_198 = vector.shape_cast %select_n3A_194 : vector<16xi32> to vector<16xi32>
            tpu.vector_store %arg10[%swap3A_195], %swap3A_198 {strides = array<i32>} : memref<1920xi32, #tpu.memory_space<vmem>>, vector<16xi32>,
            %get3A_199 = arith.index_cast %add3A_179 : i32 to index
            %get3A_200 = tpu.vector_load %arg9[%get3A_199] {strides = array<i32>} : memref<1920xf32, #tpu.memory_space<vmem>>, vector<16xf32>,
            %get3A_201 = vector.shape_cast %get3A_200 : vector<16xf32> to vector<16xf32>
            %jit3A_202 = arith.constant 0.000000e+00 : f32
            %broadcast_in_dim3A_203 = vector.broadcast %jit3A_202 : f32 to vector<16xf32>
            %select_n3A_204 = arith.select %and3A_191, %get3A_201, %broadcast_in_dim3A_203 : vector<16xi1>, vector<16xf32>
            %swap3A_205 = arith.index_cast %add3A_179 : i32 to index
            %swap3A_206 = tpu.vector_load %arg11[%swap3A_205] {strides = array<i32>} : memref<1920xf32, #tpu.memory_space<vmem>>, vector<16xf32>,
            %swap3A_207 = vector.shape_cast %swap3A_206 : vector<16xf32> to vector<16xf32>
            %swap3A_208 = vector.shape_cast %select_n3A_204 : vector<16xf32> to vector<16xf32>
            tpu.vector_store %arg11[%swap3A_205], %swap3A_208 {strides = array<i32>} : memref<1920xf32, #tpu.memory_space<vmem>>, vector<16xf32>,
            %mul3A_209 = arith.constant 128 : i32
            %mul3A_210 = arith.muli %add3A_52, %mul3A_209 : i32
            %add3A_211 = arith.constant 80 : i32
            %add3A_212 = arith.addi %mul3A_210, %add3A_211 : i32
            %get3A_213 = arith.index_cast %add3A_212 : i32 to index
            %get3A_214 = tpu.vector_load %arg8[%get3A_213] {strides = array<i32>} : memref<1920xi32, #tpu.memory_space<vmem>>, vector<16xi32>,
            %get3A_215 = vector.shape_cast %get3A_214 : vector<16xi32> to vector<16xi32>
            %sub3A_216 = vector.broadcast %mul3A_15 : i32 to vector<16xi32>
            %sub3A_217 = arith.subi %get3A_215, %sub3A_216 : vector<16xi32>
            %ge3A_218 = arith.constant 0 : i32
            %ge3A_219 = vector.broadcast %ge3A_218 : i32 to vector<16xi32>
            %ge3A_220 = arith.cmpi sge, %sub3A_217, %ge3A_219 : vector<16xi32>
            %lt3A_221 = arith.constant 1555200 : i32
            %lt3A_222 = vector.broadcast %lt3A_221 : i32 to vector<16xi32>
            %lt3A_223 = arith.cmpi slt, %sub3A_217, %lt3A_222 : vector<16xi32>
            %and3A_224 = arith.andi %ge3A_220, %lt3A_223 : vector<16xi1>
            %jit3A_225 = arith.constant 0 : i32
            %broadcast_in_dim3A_226 = vector.broadcast %jit3A_225 : i32 to vector<16xi32>
            %select_n3A_227 = arith.select %and3A_224, %sub3A_217, %broadcast_in_dim3A_226 : vector<16xi1>, vector<16xi32>
            %swap3A_228 = arith.index_cast %add3A_212 : i32 to index
            %swap3A_229 = tpu.vector_load %arg10[%swap3A_228] {strides = array<i32>} : memref<1920xi32, #tpu.memory_space<vmem>>, vector<16xi32>,
            %swap3A_230 = vector.shape_cast %swap3A_229 : vector<16xi32> to vector<16xi32>
            %swap3A_231 = vector.shape_cast %select_n3A_227 : vector<16xi32> to vector<16xi32>
            tpu.vector_store %arg10[%swap3A_228], %swap3A_231 {strides = array<i32>} : memref<1920xi32, #tpu.memory_space<vmem>>, vector<16xi32>,
            %get3A_232 = arith.index_cast %add3A_212 : i32 to index
            %get3A_233 = tpu.vector_load %arg9[%get3A_232] {strides = array<i32>} : memref<1920xf32, #tpu.memory_space<vmem>>, vector<16xf32>,
            %get3A_234 = vector.shape_cast %get3A_233 : vector<16xf32> to vector<16xf32>
            %jit3A_235 = arith.constant 0.000000e+00 : f32
            %broadcast_in_dim3A_236 = vector.broadcast %jit3A_235 : f32 to vector<16xf32>
            %select_n3A_237 = arith.select %and3A_224, %get3A_234, %broadcast_in_dim3A_236 : vector<16xi1>, vector<16xf32>
            %swap3A_238 = arith.index_cast %add3A_212 : i32 to index
            %swap3A_239 = tpu.vector_load %arg11[%swap3A_238] {strides = array<i32>} : memref<1920xf32, #tpu.memory_space<vmem>>, vector<16xf32>,
            %swap3A_240 = vector.shape_cast %swap3A_239 : vector<16xf32> to vector<16xf32>
            %swap3A_241 = vector.shape_cast %select_n3A_237 : vector<16xf32> to vector<16xf32>
            tpu.vector_store %arg11[%swap3A_238], %swap3A_241 {strides = array<i32>} : memref<1920xf32, #tpu.memory_space<vmem>>, vector<16xf32>,
            %mul3A_242 = arith.constant 128 : i32
            %mul3A_243 = arith.muli %add3A_52, %mul3A_242 : i32
            %add3A_244 = arith.constant 96 : i32
            %add3A_245 = arith.addi %mul3A_243, %add3A_244 : i32
            %get3A_246 = arith.index_cast %add3A_245 : i32 to index
            %get3A_247 = tpu.vector_load %arg8[%get3A_246] {strides = array<i32>} : memref<1920xi32, #tpu.memory_space<vmem>>, vector<16xi32>,
            %get3A_248 = vector.shape_cast %get3A_247 : vector<16xi32> to vector<16xi32>
            %sub3A_249 = vector.broadcast %mul3A_15 : i32 to vector<16xi32>
            %sub3A_250 = arith.subi %get3A_248, %sub3A_249 : vector<16xi32>
            %ge3A_251 = arith.constant 0 : i32
            %ge3A_252 = vector.broadcast %ge3A_251 : i32 to vector<16xi32>
            %ge3A_253 = arith.cmpi sge, %sub3A_250, %ge3A_252 : vector<16xi32>
            %lt3A_254 = arith.constant 1555200 : i32
            %lt3A_255 = vector.broadcast %lt3A_254 : i32 to vector<16xi32>
            %lt3A_256 = arith.cmpi slt, %sub3A_250, %lt3A_255 : vector<16xi32>
            %and3A_257 = arith.andi %ge3A_253, %lt3A_256 : vector<16xi1>
            %jit3A_258 = arith.constant 0 : i32
            %broadcast_in_dim3A_259 = vector.broadcast %jit3A_258 : i32 to vector<16xi32>
            %select_n3A_260 = arith.select %and3A_257, %sub3A_250, %broadcast_in_dim3A_259 : vector<16xi1>, vector<16xi32>
            %swap3A_261 = arith.index_cast %add3A_245 : i32 to index
            %swap3A_262 = tpu.vector_load %arg10[%swap3A_261] {strides = array<i32>} : memref<1920xi32, #tpu.memory_space<vmem>>, vector<16xi32>,
            %swap3A_263 = vector.shape_cast %swap3A_262 : vector<16xi32> to vector<16xi32>
            %swap3A_264 = vector.shape_cast %select_n3A_260 : vector<16xi32> to vector<16xi32>
            tpu.vector_store %arg10[%swap3A_261], %swap3A_264 {strides = array<i32>} : memref<1920xi32, #tpu.memory_space<vmem>>, vector<16xi32>,
            %get3A_265 = arith.index_cast %add3A_245 : i32 to index
            %get3A_266 = tpu.vector_load %arg9[%get3A_265] {strides = array<i32>} : memref<1920xf32, #tpu.memory_space<vmem>>, vector<16xf32>,
            %get3A_267 = vector.shape_cast %get3A_266 : vector<16xf32> to vector<16xf32>
            %jit3A_268 = arith.constant 0.000000e+00 : f32
            %broadcast_in_dim3A_269 = vector.broadcast %jit3A_268 : f32 to vector<16xf32>
            %select_n3A_270 = arith.select %and3A_257, %get3A_267, %broadcast_in_dim3A_269 : vector<16xi1>, vector<16xf32>
            %swap3A_271 = arith.index_cast %add3A_245 : i32 to index
            %swap3A_272 = tpu.vector_load %arg11[%swap3A_271] {strides = array<i32>} : memref<1920xf32, #tpu.memory_space<vmem>>, vector<16xf32>,
            %swap3A_273 = vector.shape_cast %swap3A_272 : vector<16xf32> to vector<16xf32>
            %swap3A_274 = vector.shape_cast %select_n3A_270 : vector<16xf32> to vector<16xf32>
            tpu.vector_store %arg11[%swap3A_271], %swap3A_274 {strides = array<i32>} : memref<1920xf32, #tpu.memory_space<vmem>>, vector<16xf32>,
            %mul3A_275 = arith.constant 128 : i32
            %mul3A_276 = arith.muli %add3A_52, %mul3A_275 : i32
            %add3A_277 = arith.constant 112 : i32
            %add3A_278 = arith.addi %mul3A_276, %add3A_277 : i32
            %get3A_279 = arith.index_cast %add3A_278 : i32 to index
            %get3A_280 = tpu.vector_load %arg8[%get3A_279] {strides = array<i32>} : memref<1920xi32, #tpu.memory_space<vmem>>, vector<16xi32>,
            %get3A_281 = vector.shape_cast %get3A_280 : vector<16xi32> to vector<16xi32>
            %sub3A_282 = vector.broadcast %mul3A_15 : i32 to vector<16xi32>
            %sub3A_283 = arith.subi %get3A_281, %sub3A_282 : vector<16xi32>
            %ge3A_284 = arith.constant 0 : i32
            %ge3A_285 = vector.broadcast %ge3A_284 : i32 to vector<16xi32>
            %ge3A_286 = arith.cmpi sge, %sub3A_283, %ge3A_285 : vector<16xi32>
            %lt3A_287 = arith.constant 1555200 : i32
            %lt3A_288 = vector.broadcast %lt3A_287 : i32 to vector<16xi32>
            %lt3A_289 = arith.cmpi slt, %sub3A_283, %lt3A_288 : vector<16xi32>
            %and3A_290 = arith.andi %ge3A_286, %lt3A_289 : vector<16xi1>
            %jit3A_291 = arith.constant 0 : i32
            %broadcast_in_dim3A_292 = vector.broadcast %jit3A_291 : i32 to vector<16xi32>
            %select_n3A_293 = arith.select %and3A_290, %sub3A_283, %broadcast_in_dim3A_292 : vector<16xi1>, vector<16xi32>
            %swap3A_294 = arith.index_cast %add3A_278 : i32 to index
            %swap3A_295 = tpu.vector_load %arg10[%swap3A_294] {strides = array<i32>} : memref<1920xi32, #tpu.memory_space<vmem>>, vector<16xi32>,
            %swap3A_296 = vector.shape_cast %swap3A_295 : vector<16xi32> to vector<16xi32>
            %swap3A_297 = vector.shape_cast %select_n3A_293 : vector<16xi32> to vector<16xi32>
            tpu.vector_store %arg10[%swap3A_294], %swap3A_297 {strides = array<i32>} : memref<1920xi32, #tpu.memory_space<vmem>>, vector<16xi32>,
            %get3A_298 = arith.index_cast %add3A_278 : i32 to index
            %get3A_299 = tpu.vector_load %arg9[%get3A_298] {strides = array<i32>} : memref<1920xf32, #tpu.memory_space<vmem>>, vector<16xf32>,
            %get3A_300 = vector.shape_cast %get3A_299 : vector<16xf32> to vector<16xf32>
            %jit3A_301 = arith.constant 0.000000e+00 : f32
            %broadcast_in_dim3A_302 = vector.broadcast %jit3A_301 : f32 to vector<16xf32>
            %select_n3A_303 = arith.select %and3A_290, %get3A_300, %broadcast_in_dim3A_302 : vector<16xi1>, vector<16xf32>
            %swap3A_304 = arith.index_cast %add3A_278 : i32 to index
            %swap3A_305 = tpu.vector_load %arg11[%swap3A_304] {strides = array<i32>} : memref<1920xf32, #tpu.memory_space<vmem>>, vector<16xf32>,
            %swap3A_306 = vector.shape_cast %swap3A_305 : vector<16xf32> to vector<16xf32>
            %swap3A_307 = vector.shape_cast %select_n3A_303 : vector<16xf32> to vector<16xf32>
            tpu.vector_store %arg11[%swap3A_304], %swap3A_307 {strides = array<i32>} : memref<1920xf32, #tpu.memory_space<vmem>>, vector<16xf32>,
          }
          %scan3A_47 = arith.constant 15 : i32
          "tpu.region"() ({
            %run_scoped3A = tpu.sem_alloc : memref<!tpu.dma_semaphore, #tpu.memory_space<semaphore_mem>>
            %dma_start3A = arith.constant 0 : i32
            %dma_start3A_48 = tpu.memref_slice %arg14[%dma_start3A] : memref<1555200xf32, #tpu.memory_space<vmem_shared>> -> memref<1555200xf32, #tpu.memory_space<vmem_shared>>
            tpu.enqueue_indirect_dma source(%arg11 : memref<1920xf32, #tpu.memory_space<vmem>>) target(%dma_start3A_48 : memref<1555200xf32, #tpu.memory_space<vmem_shared>>) offsets(%arg10 : memref<1920xi32, #tpu.memory_space<vmem>>) semaphore(%run_scoped3A : memref<!tpu.dma_semaphore, #tpu.memory_space<semaphore_mem>>) {add = true}
            %dma_wait3A = arith.constant 0 : i32
            %dma_wait3A_49 = tpu.memref_slice %arg14[%dma_wait3A] : memref<1555200xf32, #tpu.memory_space<vmem_shared>> -> memref<1555200xf32, #tpu.memory_space<vmem_shared>>
            tpu.wait_indirect_dma semaphore(%run_scoped3A : memref<!tpu.dma_semaphore, #tpu.memory_space<semaphore_mem>>) src(%arg11 : memref<1920xf32, #tpu.memory_space<vmem>>) dst(%dma_wait3A_49 : memref<1555200xf32, #tpu.memory_space<vmem_shared>>)
            tpu.yield
          }) : () -> ()
        }
        %scan3A_25 = arith.constant 48 : i32
        %barrier3A_26 = arith.constant 0 : index
        tpu.barrier barrier_id(%barrier3A_26)
        %scan3A_27 = arith.constant 0 : i32
        %scan3A_28 = arith.constant 9 : i32
        %scan3A_29 = arith.addi %scan3A_27, %scan3A_28 : i32
        %scan3A_30 = arith.constant 1 : i32
        scf.for %scan3A_33 = %scan3A_27 to %scan3A_29 step %scan3A_30  : i32 {
          %mul3A_34 = arith.constant 1 : i32
          %mul3A_35 = arith.muli %scan3A_33, %mul3A_34 : i32
          %add3A_36 = arith.constant 0 : i32
          %add3A_37 = arith.addi %add3A_36, %mul3A_35 : i32
          %mul3A_38 = arith.constant 9 : i32
          %mul3A_39 = arith.muli %arg1, %mul3A_38 : i32
          %add3A_40 = arith.addi %mul3A_39, %add3A_37 : i32
          %mul3A_41 = arith.constant 10800 : i32
          %mul3A_42 = arith.muli %add3A_40, %mul3A_41 : i32
          %add3A_43 = arith.addi %mul3A_15, %mul3A_42 : i32
          %add3A_44 = arith.constant 10800 : i32
          %add3A_45 = arith.addi %add3A_43, %add3A_44 : i32
          %le3A = arith.constant 16588800 : i32
          %le3A_46 = arith.cmpi sle, %add3A_45, %le3A : i32
          %convert_element_type3A_47 = arith.extui %le3A_46 : i1 to i32
          %cond3A_48 = arith.constant 0 : i32
          %cond3A_49 = arith.cmpi ne, %convert_element_type3A_47, %cond3A_48 : i32
          scf.if %cond3A_49 {
            "tpu.region"() ({
              %run_scoped3A = tpu.sem_alloc : memref<!tpu.dma_semaphore, #tpu.memory_space<semaphore_mem>>
              %dma_start3A = tpu.memref_slice %arg14[%mul3A_42] : memref<1555200xf32, #tpu.memory_space<vmem_shared>> -> memref<10800xf32, #tpu.memory_space<vmem_shared>>
              %dma_start3A_51 = tpu.memref_slice %arg14[%mul3A_42] : memref<1555200xf32, #tpu.memory_space<vmem_shared>> -> memref<10800xf32, #tpu.memory_space<vmem_shared>>
              tpu.enqueue_dma source(%dma_start3A_51 : memref<10800xf32, #tpu.memory_space<vmem_shared>>) target(%arg13 : memref<10800xf32, #tpu.memory_space<vmem>>) target_semaphore(%run_scoped3A : memref<!tpu.dma_semaphore, #tpu.memory_space<semaphore_mem>>)
              %dma_wait3A = tpu.memref_slice %arg14[%mul3A_42] : memref<1555200xf32, #tpu.memory_space<vmem_shared>> -> memref<10800xf32, #tpu.memory_space<vmem_shared>>
              %dma_wait3A_52 = tpu.memref_slice %arg14[%mul3A_42] : memref<1555200xf32, #tpu.memory_space<vmem_shared>> -> memref<10800xf32, #tpu.memory_space<vmem_shared>>
              tpu.wait_dma2 semaphore(%run_scoped3A : memref<!tpu.dma_semaphore, #tpu.memory_space<semaphore_mem>>) src(%dma_wait3A_52 : memref<10800xf32, #tpu.memory_space<vmem_shared>>) dst(%arg13 : memref<10800xf32, #tpu.memory_space<vmem>>)
              tpu.yield
            }) : () -> ()
            %add3A_50 = arith.addi %mul3A_15, %mul3A_42 : i32
            "tpu.region"() ({
              %run_scoped3A = tpu.sem_alloc : memref<!tpu.dma_semaphore, #tpu.memory_space<semaphore_mem>>
              %dma_start3A = tpu.memref_slice %arg7[%add3A_50] : memref<16588800xf32, #tpu.memory_space<hbm>> -> memref<10800xf32, #tpu.memory_space<hbm>>
              %dma_start3A_51 = tpu.memref_slice %arg7[%add3A_50] : memref<16588800xf32, #tpu.memory_space<hbm>> -> memref<10800xf32, #tpu.memory_space<hbm>>
              tpu.enqueue_dma source(%arg13 : memref<10800xf32, #tpu.memory_space<vmem>>) target(%dma_start3A_51 : memref<10800xf32, #tpu.memory_space<hbm>>) target_semaphore(%run_scoped3A : memref<!tpu.dma_semaphore, #tpu.memory_space<semaphore_mem>>)
              %dma_wait3A = tpu.memref_slice %arg7[%add3A_50] : memref<16588800xf32, #tpu.memory_space<hbm>> -> memref<10800xf32, #tpu.memory_space<hbm>>
              %dma_wait3A_52 = tpu.memref_slice %arg7[%add3A_50] : memref<16588800xf32, #tpu.memory_space<hbm>> -> memref<10800xf32, #tpu.memory_space<hbm>>
              tpu.wait_dma2 semaphore(%run_scoped3A : memref<!tpu.dma_semaphore, #tpu.memory_space<semaphore_mem>>) src(%arg13 : memref<10800xf32, #tpu.memory_space<vmem>>) dst(%dma_wait3A_52 : memref<10800xf32, #tpu.memory_space<hbm>>)
              tpu.yield
            }) : () -> ()
          } else {
          }
        }
        %scan3A_31 = arith.constant 9 : i32
        %barrier3A_32 = arith.constant 0 : index
        tpu.barrier barrier_id(%barrier3A_32)
      }
      %scan3A_10 = arith.constant 11 : i32
    } else {
    }
    return
  }
}

</mosaic_0001>

<sc_bundles>
// kernel: _sc_scatter.3.cloned.1.call-start
scs
__scs_entry_jumppad:
0x0: {  	(pc) =	sbr.rel $0x88, $3  }
0x1: {  	(tag) =	ssettag $0x0;
	lr =	simm.s32 $0x1  }
0x2: {  	[smem:$0x3F9D] =	sst lr;
	_ =	strace $0xD0000000  }
0x3: {  	_ = 	snop  }
0x4: {  	_ = 	snop  }
0x5: {  	_ = 	snop  }
0x6: {  	_ = 	snop  }
0x7: {  	_ = 	snop  }
__scs_overlays_trampoline_lowered:
0x8: {  	[smem:$0x3FAC] =	sst s0  }
0x9: {  	[smem:$0x3FAD] =	sst s1  }
0xa: {  	[smem:$0x3FAE] =	sst s2  }
0xb: {  	[smem:$0x3FAF] =	sst s3  }
0xc: {  	[smem:$0x3FB0] =	sst s4  }
0xd: {  	[smem:$0x3FB1] =	sst s5  }
0xe: {  	[smem:$0x3FB2] =	sst s6  }
0xf: {  	[smem:$0x3FB3] =	sst s7  }
0x10: {  	[smem:$0x3FB4] =	sst s8  }
0x11: {  	[smem:$0x3FB5] =	sst s9;
	s0 =	simm.s32 @!p0 $0x0  }
0x12: {  	s1 =	sld [smem:$0x3F9B];
	s0 =	simm.s32 @p0 $0x1  }
0x13: {  	[smem:$0x3FB6] =	sst s0;
	s0 =	simm.s32 @!p1 $0x0  }
0x14: {  	s2 =	sld [smem:$0x3F9A];
	s0 =	simm.s32 @p1 $0x1  }
0x15: {  	[smem:$0x3FB7] =	sst s0;
	s0 =	simm.s32 @!p2 $0x0  }
0x16: {  	s3 =	sld [smem:$0x3FDB];
	s0 =	simm.s32 @p2 $0x1  }
0x17: {  	s4 =	simm.s32 $0x1BF5;
	[smem:$0x3FB9] =	sst s0  }
0x18: {  	s0 =	sld [smem:$0x3F9C];
	_ =	swait.ge [sflag:s4], $0x0  }
0x19: {  	s7 =	sld [smem:$0x3F9D]  }
0x1a: {  	s8 =	sadd.s32 $0xFFFFE003, lr  }
0x1b: {  	s9 =	sadd.s32 $0xFFFFFEF7, lr;
	s5 =	simm.s32 $0xFFFFFFFF;
	p2 =	slt.u32 s8, $0xFFFFF086  }
0x1c: {  	p1 =	slt.u32 s9, $0xF7A;
	s5 =	simm.s32 @!p2 $0x0  }
0x1d: {  	s5 =	simm.s32 @p1 $0x1;
	p0 =	seq.s32 s7, s2  }
0x1e: {  	s7 =	smul.u32 @!p0 $0xF7A, s2;
	p2 =	seq.s32 @!p0 s5, $0x0  }
0x1f: {  	s9 =	smul.u32 $0xF7A, s1;
	s8 =	simm.s32 @!p0 $0x1BF5;
	p2 =	por !p2, p0  }
0x20: {  	[sflag:s8] =	ssyncset.s32 @!p0 $0xFFFFF086;
	s6 =	sadd.s32 @!p0 s3, s7;
	s7 =	simm.s32 @!p0 $0x108  }
0x21: {  	s3 =	sadd.s32 s3, s9;
	s6 =	sadd.s32 @!p0 $0x88, s6;
	s7 =	simm.s32 @p2 $0x1082  }
0x22: {  	[simem:s7], [sflag:s8] =	dma.local @!p0 [hbm:s6], $0xF7A  }
0x23: {  	s9 =	sor.u32 $0xD0000000, s2;
	s6 =	simm.s32 $0x108;
	_ =	swait.ge @!p0 [sflag:s8], $0x0  }
0x24: {  	s3 =	sadd.s32 $0x88, s3;
	s6 =	simm.s32 @!p1 $0x1082;
	[sflag:s4] =	ssyncset.s32 $0xFFFFF086  }
0x25: {  	[simem:s6], [sflag:s4] =	dma.local [hbm:s3], $0xF7A  }
0x26: {  	[smem:$0x3F9D] =	sst s1;
	(tag) =	ssettag s2;
	_ =	strace s9  }
0x27: {  	s1 =	sld [smem:$0x3FAD]  }
0x28: {  	s2 =	sld [smem:$0x3FAE]  }
0x29: {  	s4 =	sld [smem:$0x3FB0]  }
0x2a: {  	p0 =	seq.s32 s5, $0x0;
	s5 =	sld [smem:$0x3FB1]  }
0x2b: {  	s6 =	sld [smem:$0x3FB2]  }
0x2c: {  	s7 =	sld [smem:$0x3FB3]  }
0x2d: {  	s3 =	simm.s32 $0x108;
	s8 =	sld [smem:$0x3FB4]  }
0x2e: {  	s3 =	simm.s32 @!p0 $0x1082;
	s9 =	sld [smem:$0x3FB5]  }
0x2f: {  	lr =	sadd.s32 s0, s3;
	s0 =	sld [smem:$0x3FAC]  }
0x30: {  	s3 =	sld [smem:$0x3FAF]  }
0x31: {  	[smem:$0x3FB8] =	sst s10  }
0x32: {  	s10 =	sld [smem:$0x3FB6];
	_ =	sdelay $0x3  }
0x33: {  	p0 =	seq.s32 s10, $0x1;
	s10 =	sld [smem:$0x3FB8];
	_ =	sdelay $0x3  }
0x34: {  	[smem:$0x3FB8] =	sst s10  }
0x35: {  	s10 =	sld [smem:$0x3FB7];
	_ =	sdelay $0x3  }
0x36: {  	p1 =	seq.s32 s10, $0x1;
	s10 =	sld [smem:$0x3FB8];
	_ =	sdelay $0x3  }
0x37: {  	[smem:$0x3FB8] =	sst s10  }
0x38: {  	s10 =	sld [smem:$0x3FB9]  }
0x39: {  	_ = 	snop;
	(pc) =	sbr.ind lr, $3  }
0x3a: {  	_ = 	snop  }
0x3b: {  	_ = 	snop  }
0x3c: {  	p2 =	seq.s32 s10, $0x1;
	s10 =	sld [smem:$0x3FB8]  }
0x3d: {  	_ =	shalt  }
0x3e: {  	_ =	shalt  }
0x3f: {  	_ =	shalt  }
0x40: {  	_ =	shalt  }
0x41: {  	_ =	shalt  }
0x42: {  	_ =	shalt  }
0x43: {  	_ =	shalt  }
0x44: {  	_ =	shalt  }
0x45: {  	_ =	shalt  }
0x46: {  	_ =	shalt  }
0x47: {  	_ =	shalt  }
0x48: {  	_ =	shalt  }
0x49: {  	_ =	shalt  }
0x4a: {  	_ =	shalt  }
0x4b: {  	_ =	shalt  }
0x4c: {  	_ =	shalt  }
0x4d: {  	_ =	shalt  }
0x4e: {  	_ =	shalt  }
0x4f: {  	_ =	shalt  }
0x50: {  	_ =	shalt  }
0x51: {  	_ =	shalt  }
0x52: {  	_ =	shalt  }
0x53: {  	_ =	shalt  }
0x54: {  	_ =	shalt  }
0x55: {  	_ =	shalt  }
0x56: {  	_ =	shalt  }
0x57: {  	_ =	shalt  }
0x58: {  	_ =	shalt  }
0x59: {  	_ =	shalt  }
0x5a: {  	_ =	shalt  }
0x5b: {  	_ =	shalt  }
0x5c: {  	_ =	shalt  }
0x5d: {  	_ =	shalt  }
0x5e: {  	_ =	shalt  }
0x5f: {  	_ =	shalt  }
0x60: {  	_ =	shalt  }
0x61: {  	_ =	shalt  }
0x62: {  	_ =	shalt  }
0x63: {  	_ =	shalt  }
0x64: {  	_ =	shalt  }
0x65: {  	_ =	shalt  }
0x66: {  	_ =	shalt  }
0x67: {  	_ =	shalt  }
0x68: {  	_ =	shalt  }
0x69: {  	_ =	shalt  }
0x6a: {  	_ =	shalt  }
0x6b: {  	_ =	shalt  }
0x6c: {  	_ =	shalt  }
0x6d: {  	_ =	shalt  }
0x6e: {  	_ =	shalt  }
0x6f: {  	_ =	shalt  }
0x70: {  	_ =	shalt  }
0x71: {  	_ =	shalt  }
0x72: {  	_ =	shalt  }
0x73: {  	_ =	shalt  }
0x74: {  	_ =	shalt  }
0x75: {  	_ =	shalt  }
0x76: {  	_ =	shalt  }
0x77: {  	_ =	shalt  }
0x78: {  	_ =	shalt  }
0x79: {  	_ =	shalt  }
0x7a: {  	_ =	shalt  }
0x7b: {  	_ =	shalt  }
0x7c: {  	_ =	shalt  }
0x7d: {  	_ =	shalt  }
0x7e: {  	_ =	shalt  }
0x7f: {  	_ =	shalt  }
0x80: {  	_ =	shalt  }
0x81: {  	_ =	shalt  }
0x82: {  	_ =	shalt  }
0x83: {  	_ =	shalt  }
0x84: {  	_ =	shalt  }
0x85: {  	_ =	shalt  }
0x86: {  	_ =	shalt  }
0x87: {  	_ =	shalt  }
.Lfunc_end0:
.L_simem_size_0:
called_computation_lowered:
.L_overlay_start_0:
0x88: {  	s2 =	sld [smem:$0x3FD9]  }
0x89: {  	s3 =	sld [smem:$0x3FFE];
	_ =	sdelay $0x1  }
0x8a: {  	s1 =	srdreg.scid  }
0x8b: {  	s0 =	sand.u32 $0x1, s1  }
0x8c: {  	s15 =	sshll.u32 s0, $0xA;
	s2 =	sadd.s32 s3, s2  }
0x8d: {  	s2 =	sadd.s32 s2, s15  }
0x8e: {  	[smem:$0x3FC4] =	sst s2  }
0x8f: {  	_ = 	snop  }
0x90: {  	s2 =	sld [smem:$0x3FC9]  }
0x91: {  	s16 =	sld [smem:$0x3FD0]  }
0x92: {  	s4 =	sld [smem:$0x3FC8]  }
0x93: {  	s5 =	sld [smem:$0x3FC7]  }
0x94: {  	s7 =	simm.s32 $0xA;
	s8 =	simm.s32 $0x10;
	s6 =	sld [smem:$0x3FC6]  }
0x95: {  	[smem:s8], [sflag:s7] =	dma.local [hbm:s16], $0x1  }
0x96: {  	_ =	swait.eq [sflag:s7], $0x1  }
0x97: {  	[sflag:s7] =	ssyncset.done $0x0  }
0x98: {  	s17 =	sld [smem:$0x10];
	[sflag:s7] =	ssyncadd.s32 $0xFFFFFFFF  }
0x99: {  	s18 =	sld [smem:$0x11];
	(tm) =	ssettm $0x1  }
0x9a: {  	s19 =	sld [smem:$0x3FFB];
	_ =	sdelay $0x3  }
0x9b: {  	_ =	strace s19  }
0x9c: {  	s8 =	sld [smem:$0x3FFC];
	_ =	sdelay $0x3  }
0x9d: {  	_ =	strace s8  }
0x9e: {  	s8 =	sld [smem:$0x3FFD];
	_ =	sdelay $0x3  }
0x9f: {  	_ =	strace s8  }
0xa0: {  	_ =	strace $0x8FFFFFFF  }
0xa1: {  	s20 =	sld [smem:$0x3FDB];
	_ =	sdelay $0x1  }
0xa2: {  	s9 =	simm.s32 $_scs_section_size  }
0xa3: {  	s10 =	simm.s32 $_size__tile_overlayer_lowered;
	s11 =	simm.s32 $_tile_overlayer_lowered  }
0xa4: {  	s23 =	simm.s32 $0x1BFF;
	s22 =	sshll.u32 s11, $0x1;
	s8 =	sadd.s32 s9, s20  }
0xa5: {  	s12 =	simm.s32 $0x0;
	s21 =	sshll.u32 s10, $0x1;
	s10 =	sadd.s32 s22, s8  }
0xa6: {  	[timem:s12], [sflag:s23] =	dma.local [hbm:s10], s21  }
0xa7: {  	_ =	swait.ge [sflag:s23], s21  }
0xa8: {  	s9 =	ssub.s32 $0x0, s21;
	[sflag:s23] =	ssyncset.done $0x0  }
0xa9: {  	[sflag:s23] =	ssyncadd.s32 s9;
	_ =	sdelay $0x1  }
0xaa: {  	s24 =	simm.s32 $0x1B8B  }
0xab: {  	_ =	swait.ge [sflag:s24], $0x1  }
0xac: {  	[sflag:s24] =	ssyncset.done $0x0  }
0xad: {  	s25 =	simm.s32 $0x1B8E;
	[sflag:s24] =	ssyncadd.s32 $0xFFFFFFFF  }
0xae: {  	s26 =	simm.s32 $execute0_lowered;
	[smem:$0x3FD2] =	sst s25  }
0xaf: {  	s9 =	sshll.u32 s26, $0x1;
	_ =	strace $0x80000046;
	[dreg:$0x1] =	wrdreg $0xFFFFFFFF  }
0xb0: {  	s28 =	simm.s32 $_size_execute0_lowered;
	s8 =	sadd.s32 s8, s9;
	[dreg:$0x0] =	wrdreg $0x0  }
0xb1: {  	s9 =	sshll.u32 s28, $0x1;
	[dreg:$0x2] =	wrdreg s8  }
0xb2: {  	[dreg:$0x3] =	wrdreg s9  }
0xb3: {  	[dreg:$0x4] =	wrdreg $0xC0  }
0xb4: {  	_ =	task [dreg:s12], $0x5FFFF  }
0xb5: {  	[dreg:$0x1] =	wrdreg $0xFFFFFFFF  }
0xb6: {  	[dreg:$0x0] =	wrdreg $0x60  }
0xb7: {  	[dreg:$0x2] =	wrdreg s2  }
0xb8: {  	[dreg:$0x3] =	wrdreg s4  }
0xb9: {  	[dreg:$0x4] =	wrdreg s5  }
0xba: {  	[dreg:$0x5] =	wrdreg s6  }
0xbb: {  	[dreg:$0x6] =	wrdreg s17  }
0xbc: {  	[dreg:$0x7] =	wrdreg s18  }
0xbd: {  	[dreg:$0x8] =	wrdreg $0x73000  }
0xbe: {  	[dreg:$0x9] =	wrdreg $0x9  }
0xbf: {  	_ =	task.clear_ibuf [dreg:s12], $0xAFFFF;
	_ =	strace $0x90000046  }
0xc0: {  	s29 =	simm.s32 $0x9;
	_ =	strace $0x80000048  }
0xc1: {  	_ =	swait.ge [sflag:s29], $0x1  }
0xc2: {  	[sflag:s29] =	ssyncadd.s32 $0xFFFFFFFF  }
0xc3: {  	_ =	strace $0x90000048  }
0xc4: {  	_ =	sfence  }
0xc5: {  	s30 =	sld [smem:$0x0];
	_ =	sdelay $0x2  }
0xc6: {  	s31 =	sshll.u32 s1, $0xD;
	s1 =	sshrl.u32 s1, $0x2  }
0xc7: {  	s3 =	sand.u32 $0x4000, s31;
	s1 =	sadd.s32 s1, s30  }
0xc8: {  	s0 =	sor.u32 s3, s0;
	s1 =	sshll.u32 s1, $0x11  }
0xc9: {  	s0 =	sor.u32 s1, s0  }
0xca: {  	s0 =	sadd.s32 $0x8F2B, s0  }
0xcb: {  	[sflag:s0] =	ssyncadd.remote.s32 $0x1  }
0xcc: {  	_ =	sfence.sel $0xFFFF  }
0xcd: {  	[dreg:$0x0] =	wrdreg $0xFFFFFFFF;
	(pc) =	sbr.abs _section_cstart, $3  }
0xce: {  	[dreg:$0x1] =	wrdreg $0xFFFFFFFF  }
0xcf: {  	_ =	task.clear_ibuf [dreg:s12], $0x2FFFF;
	_ =	strace $0x9FFFFFFF  }
0xd0: {  	(tm) =	ssettm $0x7FFFFFFF  }
0xd1: {  	_ =	shalt  }
tec
execute0_lowered:
.L_overlay_start_1:
0x0: {  	(tag) =	ssettag $0x1  }
0x1: {  	s0 =	rddreg [dreg:$0x0]  }
0x2: {  	s2 =	rddreg [dreg:$0x1]  }
0x3: {  	s3 =	rddreg [dreg:$0x2]  }
0x4: {  	s1 =	rddreg [dreg:$0x4]  }
0x5: {  	s4 =	rddreg [dreg:$0x5]  }
0x6: {  	s6 =	rddreg [dreg:$0x6];
	s5 =	srdreg.scid;
	s7 =	simm.s32 $0x0  }
0x7: {  	s19 =	stileid.u32;
	s22 =	simm.s32 $0x1E00;
	s23 =	simm.s32 $0x1  }
0x8: {  	s24 =	simm.s32 $0x780;
	s28 =	simm.s32 $0x0;
	s8 =	smul.u32 $0x5EEC0, s19  }
0x9: {  	s5 =	sand.u32 $0x1, s5;
	[smem:$0x7FF] =	sst s7;
	s29 =	smul.u32 $0x2F76, s19  }
0xa: {  	s30 =	smul.u32 $0x17BB0, s19;
	s25 =	ssub.s32 $0x2, s5;
	_ =	strace $0x80000047  }
0xb: {  	p0 =	seq.s32 s5, $0x1;
	s9 =	sshrl.u32 s25, $0x1;
	s26 =	sshrl.u32 s8, $0x2  }
0xc: {  	s8 =	smul.u32 $0x16800, s19;
	s1 =	sadd.s32 s29, s1;
	[dreg:$0xa] =	wrdreg s30  }
0xd: {  	s31 =	sadd.s32 s29, s4;
	s7 =	ssub.s32 s25, s9;
	[dreg:$0x9] =	wrdreg s1  }
.Ltmp0:
0xe: {  	s10 =	sadd.s32 s26, s6;
	[dreg:$0xb] =	wrdreg s31;
	(pc) =	sbr.rel .LBB2_1-.Ltmp0, $4  }
0xf: {  	s25 =	simm.s32 $0xF00;
	s26 =	simm.s32 $0x1680;
	s7 =	smax.u32 s7, $0x1  }
0x10: {  	s11 =	sadd.s32 $0x2A30, s10;
	s12 =	sadd.s32 $0x5460, s10;
	s13 =	sadd.s32 $0x7E90, s10  }
0x11: {  	s14 =	sadd.s32 $0xA8C0, s10;
	s15 =	sadd.s32 $0xD2F0, s10;
	s16 =	sadd.s32 $0xFD20, s10  }
0x12: {  	v0 =	vimm.f32 $0.0e+00;
	s17 =	sadd.s32 $0x12750, s10;
	s18 =	sadd.s32 $0x15180, s10;
	[dreg:$0x8] =	wrdreg s7  }
.LBB2_16:
0x13: {  	s28 =	sadd.s32 $0x1, s28;
	s1 =	rddreg [dreg:$0x8]  }
0x14: {  	p1 =	sne.s32 s28, s1  }
.Ltmp1:
0x15: {  	_ = 	snop;
	(pc) =	sbr.rel @!p1 .LBB2_17-.Ltmp1, $1  }
0x16: {  	_ =	sdelay $0x3  }
.LBB2_1:
0x17: {  	s1 =	rddreg [dreg:$0x3];
	s4 =	simm.s32 $0x0  }
0x18: {  	[tilespmem:s22], [sflag:$0x1] =	stream.linear.gather [hbm4b:s1+s4], $0x2A30, $0x38;
	[tilespmem:$0x1EEB0] =	vst v63  }
.Ltmp2:
0x19: {  	_ = 	snop;
	(pc) =	sbr.rel @!p0 .LBB2_2-.Ltmp2, $4  }
0x1a: {  	_ =	swait.ge [sflag:s23], $0x2A30  }
0x1b: {  	s31 =	simm.s32 $0x0;
	s29 =	rddreg [dreg:$0xa]  }
0x1c: {  	s4 =	simm.s32 $0x0;
	[sflag:s23] =	ssyncset.done $0x0;
	s19 =	rddreg [dreg:$0x9]  }
0x1d: {  	s30 =	rddreg [dreg:$0xb];
	[sflag:s23] =	ssyncadd.s32 $0xFFFFD5D0;
	s20 =	smov.u32 s29  }
.LBB2_9:
0x1e: {  	[spmem:s10] =	stream.linear.scatter [tilespmem:s22], [sflag:$0x1], $0x2A30, $0x38;
	[tilespmem:$0x1EEB0] =	vst v63  }
0x1f: {  	_ =	swait.ge [sflag:s23], $0x2A30  }
0x20: {  	[sflag:s23] =	ssyncset.done $0x0  }
0x21: {  	[sflag:s23] =	ssyncadd.s32 $0xFFFFD5D0  }
0x22: {  	[spmem:s11] =	stream.linear.scatter [tilespmem:s22], [sflag:$0x1], $0x2A30, $0x38;
	[tilespmem:$0x1EEB0] =	vst v63  }
0x23: {  	_ =	swait.ge [sflag:s23], $0x2A30  }
0x24: {  	[sflag:s23] =	ssyncset.done $0x0  }
0x25: {  	[sflag:s23] =	ssyncadd.s32 $0xFFFFD5D0  }
0x26: {  	[spmem:s12] =	stream.linear.scatter [tilespmem:s22], [sflag:$0x1], $0x2A30, $0x38;
	[tilespmem:$0x1EEB0] =	vst v63  }
0x27: {  	_ =	swait.ge [sflag:s23], $0x2A30  }
0x28: {  	[sflag:s23] =	ssyncset.done $0x0  }
0x29: {  	[sflag:s23] =	ssyncadd.s32 $0xFFFFD5D0  }
0x2a: {  	[spmem:s13] =	stream.linear.scatter [tilespmem:s22], [sflag:$0x1], $0x2A30, $0x38;
	[tilespmem:$0x1EEB0] =	vst v63  }
0x2b: {  	_ =	swait.ge [sflag:s23], $0x2A30  }
0x2c: {  	[sflag:s23] =	ssyncset.done $0x0  }
0x2d: {  	[sflag:s23] =	ssyncadd.s32 $0xFFFFD5D0  }
0x2e: {  	[spmem:s14] =	stream.linear.scatter [tilespmem:s22], [sflag:$0x1], $0x2A30, $0x38;
	[tilespmem:$0x1EEB0] =	vst v63  }
0x2f: {  	_ =	swait.ge [sflag:s23], $0x2A30  }
0x30: {  	[sflag:s23] =	ssyncset.done $0x0  }
0x31: {  	[sflag:s23] =	ssyncadd.s32 $0xFFFFD5D0  }
0x32: {  	[spmem:s15] =	stream.linear.scatter [tilespmem:s22], [sflag:$0x1], $0x2A30, $0x38;
	[tilespmem:$0x1EEB0] =	vst v63  }
0x33: {  	_ =	swait.ge [sflag:s23], $0x2A30  }
0x34: {  	[sflag:s23] =	ssyncset.done $0x0  }
0x35: {  	[sflag:s23] =	ssyncadd.s32 $0xFFFFD5D0  }
0x36: {  	[spmem:s16] =	stream.linear.scatter [tilespmem:s22], [sflag:$0x1], $0x2A30, $0x38;
	[tilespmem:$0x1EEB0] =	vst v63  }
0x37: {  	_ =	swait.ge [sflag:s23], $0x2A30  }
0x38: {  	[sflag:s23] =	ssyncset.done $0x0  }
0x39: {  	[sflag:s23] =	ssyncadd.s32 $0xFFFFD5D0  }
0x3a: {  	[spmem:s17] =	stream.linear.scatter [tilespmem:s22], [sflag:$0x1], $0x2A30, $0x38;
	[tilespmem:$0x1EEB0] =	vst v63  }
0x3b: {  	_ =	swait.ge [sflag:s23], $0x2A30  }
0x3c: {  	[sflag:s23] =	ssyncset.done $0x0  }
0x3d: {  	[sflag:s23] =	ssyncadd.s32 $0xFFFFD5D0  }
0x3e: {  	[spmem:s18] =	stream.linear.scatter [tilespmem:s22], [sflag:$0x1], $0x2A30, $0x38;
	[tilespmem:$0x1EEB0] =	vst v63  }
0x3f: {  	_ =	swait.ge [sflag:s23], $0x2A30  }
0x40: {  	s1 =	smul.u32 $0x17BB00, s31;
	[sflag:s23] =	ssyncset.done $0x0  }
0x41: {  	[sflag:s23] =	ssyncadd.s32 $0xFFFFD5D0  }
0x42: {  	s4 =	simm.s32 $0x0;
	s19 =	simm.s32 $0x0;
	v1 =	vmov s1;
	[bflag:$0x0] =	sbarrier.arrive $0xFFFF  }
.LBB2_10:
0x43: {  	s1 =	smul.u32 $0x780, s19;
	_ =	sdelay $0x1  }
0x44: {  	s1 =	sadd.s32 s8, s1  }
0x45: {  	s1 =	sshrl.u32 s1, $0x3  }
0x46: {  	s5 =	sadd.s32 s2, s1  }
0x47: {  	[tilespmem:s4], [sflag:$0x1] =	stream.linear.gather [hbm4b:s5+s4], $0x780, $0x38;
	[tilespmem:$0x1EEB0] =	vst v63  }
0x48: {  	_ =	swait.ge [sflag:s23], $0x780  }
0x49: {  	[sflag:s23] =	ssyncset.done $0x0  }
0x4a: {  	s1 =	sadd.s32 s3, s1;
	[sflag:s23] =	ssyncadd.s32 $0xFFFFF880  }
0x4b: {  	[tilespmem:s24], [sflag:$0x1] =	stream.linear.gather [hbm4b:s1+s4], $0x780, $0x38;
	[tilespmem:$0x1EEB0] =	vst v63  }
0x4c: {  	_ =	swait.ge [sflag:s23], $0x780  }
0x4d: {  	[sflag:s23] =	ssyncset.done $0x0  }
0x4e: {  	s20 =	simm.s32 $0x0;
	[sflag:s23] =	ssyncadd.s32 $0xFFFFF880  }
0x4f: {  	v3 =	vld [tilespmem:s20+$0x0]  }
0x50: {  	v2 =	vld [tilespmem:s20+$0x70]  }
0x51: {  	v4 =	vld [tilespmem:s20+$0x7F0]  }
0x52: {  	v5 =	vld [tilespmem:s20+$0x10]  }
0x53: {  	v6 =	vld [tilespmem:s20+$0x20]  }
0x54: {  	v3 =	vsub.s32 v3, v1  }
0x55: {  	v7 =	vld [tilespmem:s20+$0x30];
	v2 =	vsub.s32 v2, v1;
	vm3 =	vlt.u32 v3, $0x17BB00  }
0x56: {  	v8 =	vld [tilespmem:s20+$0x40];
	vm0 =	vlt.u32 v2, $0x17BB00;
	v3 =	vnsel vm3, $0x0, v3  }
0x57: {  	v9 =	vld [tilespmem:s20+$0x50];
	v4 =	vnsel vm0, $0x0, v4;
	[tilespmem:s20+$0xF00] =	vst v3;
	v3 =	vsub.s32 v5, v1  }
0x58: {  	v10 =	vld [tilespmem:s20+$0x60];
	v2 =	vnsel vm0, $0x0, v2;
	[tilespmem:s20+$0x16F0] =	vst v4;
	v4 =	vsub.s32 v6, v1;
	vm5 =	vlt.u32 v3, $0x17BB00  }
0x59: {  	v5 =	vld [tilespmem:s20+$0x780];
	[tilespmem:s20+$0xF70] =	vst v2;
	vm0 =	vlt.u32 v4, $0x17BB00;
	v3 =	vnsel vm5, $0x0, v3  }
0x5a: {  	v11 =	vld [tilespmem:s20+$0x790];
	v4 =	vnsel vm0, $0x0, v4;
	[tilespmem:s20+$0xF10] =	vst v3;
	v3 =	vsub.s32 v7, v1  }
0x5b: {  	v2 =	vld [tilespmem:s20+$0x7A0];
	[tilespmem:s20+$0xF20] =	vst v4;
	v4 =	vsub.s32 v8, v1;
	vm1 =	vlt.u32 v3, $0x17BB00  }
0x5c: {  	vm2 =	vlt.u32 v4, $0x17BB00;
	v6 =	vnsel vm1, $0x0, v3;
	v3 =	vld [tilespmem:s20+$0x7B0]  }
0x5d: {  	v7 =	vsub.s32 v9, v1;
	v8 =	vsub.s32 v10, v1;
	[tilespmem:s20+$0xF30] =	vst v6;
	v6 =	vnsel vm2, $0x0, v4;
	v4 =	vld [tilespmem:s20+$0x7C0]  }
0x5e: {  	vm4 =	vlt.u32 v7, $0x17BB00;
	v5 =	vnsel vm3, $0x0, v5;
	vm3 =	vlt.u32 v8, $0x17BB00;
	[tilespmem:s20+$0xF40] =	vst v6;
	v6 =	vld [tilespmem:s20+$0x7D0]  }
0x5f: {  	s7 =	simm.s32 $0x80;
	s9 =	simm.s32 $0x400;
	v9 =	vnsel vm5, $0x0, v11;
	v7 =	vnsel vm4, $0x0, v7;
	[tilespmem:s20+$0x1680] =	vst v5;
	v5 =	vnsel vm3, $0x0, v8;
	v8 =	vld [tilespmem:s20+$0x7E0]  }
.LBB2_11:
0x60: {  	p1 =	sne.s32 s9, $0x1C00;
	v10 =	vld [tilespmem:s7+$0x70];
	[tilespmem:s20+$0x1690] =	vst v9;
	v2 =	vnsel vm0, $0x0, v2  }
0x61: {  	v9 =	vld [tilespmem:s7+$0x0];
	[tilespmem:s20+$0x16A0] =	vst v2;
	v2 =	vnsel vm1, $0x0, v3  }
0x62: {  	v3 =	vld [tilespmem:s7+$0x7F0];
	[tilespmem:s20+$0x16B0] =	vst v2;
	v2 =	vnsel vm2, $0x0, v4  }
0x63: {  	v4 =	vld [tilespmem:s7+$0x10];
	[tilespmem:s20+$0x16C0] =	vst v2;
	v2 =	vnsel vm4, $0x0, v6  }
0x64: {  	v6 =	vld [tilespmem:s7+$0x20];
	[tilespmem:s20+$0xF50] =	vst v7;
	v7 =	vnsel vm3, $0x0, v8  }
0x65: {  	v8 =	vld [tilespmem:s7+$0x30];
	v10 =	vsub.s32 v10, v1;
	[tilespmem:s20+$0x16D0] =	vst v2  }
0x66: {  	v2 =	vsub.s32 v9, v1;
	v9 =	vld [tilespmem:s7+$0x40];
	vm0 =	vlt.u32 v10, $0x17BB00;
	[tilespmem:s20+$0xF60] =	vst v5  }
0x67: {  	vm3 =	vlt.u32 v2, $0x17BB00;
	v5 =	vld [tilespmem:s7+$0x50];
	v10 =	vnsel vm0, $0x0, v10;
	v3 =	vnsel vm0, $0x0, v3;
	[tilespmem:s20+$0x16E0] =	vst v7;
	s20 =	smov.u32 s7  }
0x68: {  	v2 =	vnsel vm3, $0x0, v2;
	v4 =	vsub.s32 v4, v1;
	v7 =	vld [tilespmem:s20+$0x60];
	[tilespmem:s20+$0x16F0] =	vst v3  }
0x69: {  	[tilespmem:s20+$0xF00] =	vst v2;
	v11 =	vld [tilespmem:s20+$0x780];
	vm5 =	vlt.u32 v4, $0x17BB00;
	v2 =	vsub.s32 v6, v1  }
0x6a: {  	v3 =	vnsel vm5, $0x0, v4;
	v12 =	vld [tilespmem:s20+$0x790];
	vm0 =	vlt.u32 v2, $0x17BB00;
	v4 =	vsub.s32 v8, v1;
	[tilespmem:s20+$0xF70] =	vst v10  }
.Ltmp3:
0x6b: {  	[tilespmem:s20+$0xF10] =	vst v3;
	v3 =	vnsel vm0, $0x0, v2;
	v2 =	vld [tilespmem:s20+$0x7A0];
	vm1 =	vlt.u32 v4, $0x17BB00;
	v6 =	vsub.s32 v9, v1;
	(pc) =	sbr.rel @p1 .LBB2_11-.Ltmp3, $4  }
0x6c: {  	[tilespmem:s20+$0xF20] =	vst v3;
	v4 =	vnsel vm1, $0x0, v4;
	v3 =	vld [tilespmem:s20+$0x7B0];
	vm2 =	vlt.u32 v6, $0x17BB00;
	v5 =	vsub.s32 v5, v1  }
0x6d: {  	[tilespmem:s20+$0xF30] =	vst v4;
	v6 =	vnsel vm2, $0x0, v6;
	v4 =	vld [tilespmem:s20+$0x7C0];
	vm4 =	vlt.u32 v5, $0x17BB00;
	v8 =	vsub.s32 v7, v1  }
0x6e: {  	v9 =	vnsel vm3, $0x0, v11;
	[tilespmem:s20+$0xF40] =	vst v6;
	v7 =	vnsel vm4, $0x0, v5;
	v6 =	vld [tilespmem:s20+$0x7D0];
	vm3 =	vlt.u32 v8, $0x17BB00  }
0x6f: {  	s7 =	sshra.s32 s9, $0x2;
	s9 =	sadd.s32 $0x200, s9;
	[tilespmem:s20+$0x1680] =	vst v9;
	v9 =	vnsel vm5, $0x0, v12;
	v5 =	vnsel vm3, $0x0, v8;
	v8 =	vld [tilespmem:s20+$0x7E0]  }
0x70: {  	v10 =	vld [tilespmem:s7+$0x70];
	[tilespmem:s20+$0x1690] =	vst v9;
	v2 =	vnsel vm0, $0x0, v2  }
0x71: {  	v9 =	vld [tilespmem:s7+$0x0];
	[tilespmem:s20+$0x16A0] =	vst v2;
	v2 =	vnsel vm1, $0x0, v3  }
0x72: {  	v3 =	vld [tilespmem:s7+$0x7F0];
	[tilespmem:s20+$0x16B0] =	vst v2;
	v2 =	vnsel vm2, $0x0, v4  }
0x73: {  	v52 =	vld [tilespmem:s7+$0x10];
	[tilespmem:s20+$0x16C0] =	vst v2  }
0x74: {  	v6 =	vnsel vm4, $0x0, v6;
	v2 =	vld [tilespmem:s7+$0x20];
	[tilespmem:s20+$0xF50] =	vst v7  }
0x75: {  	v7 =	vld [tilespmem:s7+$0x30];
	[tilespmem:s20+$0x16D0] =	vst v6;
	v54 =	vsub.s32 v10, v1  }
0x76: {  	v53 =	vnsel vm3, $0x0, v8;
	v6 =	vld [tilespmem:s7+$0x40];
	[tilespmem:s20+$0xF60] =	vst v5;
	vm8 =	vlt.u32 v54, $0x17BB00  }
0x77: {  	v55 =	vld [tilespmem:s7+$0x50];
	[tilespmem:s20+$0x16E0] =	vst v53;
	v3 =	vnsel vm8, $0x0, v3  }
0x78: {  	[tilespmem:s7+$0x16F0] =	vst v3;
	v3 =	vsub.s32 v52, v1  }
0x79: {  	v8 =	vnsel vm8, $0x0, v54;
	vm10 =	vlt.u32 v3, $0x17BB00;
	v2 =	vsub.s32 v2, v1  }
0x7a: {  	v9 =	vsub.s32 v9, v1;
	v5 =	vld [tilespmem:s7+$0x60];
	[tilespmem:s7+$0xF70] =	vst v8;
	v3 =	vnsel vm10, $0x0, v3;
	vm11 =	vlt.u32 v2, $0x17BB00  }
0x7b: {  	vm9 =	vlt.u32 v9, $0x17BB00;
	v56 =	vld [tilespmem:s7+$0x780];
	[tilespmem:s7+$0xF10] =	vst v3;
	v3 =	vsub.s32 v7, v1;
	v2 =	vnsel vm11, $0x0, v2  }
0x7c: {  	v9 =	vnsel vm9, $0x0, v9;
	v57 =	vld [tilespmem:s7+$0x790];
	vm12 =	vlt.u32 v3, $0x17BB00;
	[tilespmem:s7+$0xF20] =	vst v2;
	v2 =	vsub.s32 v6, v1  }
0x7d: {  	v58 =	vld [tilespmem:s7+$0x7A0];
	[tilespmem:s7+$0xF00] =	vst v9;
	v62 =	vsub.s32 v55, v1;
	v3 =	vnsel vm12, $0x0, v3;
	vm13 =	vlt.u32 v2, $0x17BB00  }
0x7e: {  	v59 =	vld [tilespmem:s7+$0x7B0];
	vm14 =	vlt.u32 v62, $0x17BB00;
	[tilespmem:s7+$0xF30] =	vst v3;
	v2 =	vnsel vm13, $0x0, v2  }
0x7f: {  	v3 =	vld [tilespmem:s7+$0x7C0];
	v63 =	vnsel vm14, $0x0, v62;
	[tilespmem:s7+$0xF40] =	vst v2  }
0x80: {  	v60 =	vld [tilespmem:s7+$0x7D0];
	v2 =	vnsel vm9, $0x0, v56;
	[tilespmem:s7+$0xF50] =	vst v63  }
0x81: {  	[tilespmem:s7+$0x1680] =	vst v2;
	v2 =	vnsel vm10, $0x0, v57  }
0x82: {  	v61 =	vld [tilespmem:s7+$0x7E0];
	[tilespmem:s7+$0x1690] =	vst v2;
	v2 =	vnsel vm11, $0x0, v58  }
0x83: {  	[tilespmem:s7+$0x16A0] =	vst v2;
	v2 =	vnsel vm12, $0x0, v59  }
0x84: {  	[tilespmem:s7+$0x16B0] =	vst v2;
	v2 =	vnsel vm13, $0x0, v3;
	v3 =	vsub.s32 v5, v1  }
0x85: {  	[tilespmem:s7+$0x16C0] =	vst v2;
	vm15 =	vlt.u32 v3, $0x17BB00;
	v2 =	vnsel vm14, $0x0, v60  }
0x86: {  	s19 =	sadd.s32 $0x1, s19;
	v3 =	vnsel vm15, $0x0, v3;
	[tilespmem:s7+$0x16D0] =	vst v2  }
0x87: {  	p1 =	sne.s32 s19, $0x30;
	v2 =	vnsel vm15, $0x0, v61;
	[tilespmem:s7+$0xF60] =	vst v3  }
.Ltmp4:
0x88: {  	[tilespmem:s7+$0x16E0] =	vst v2;
	(pc) =	sbr.rel @p1 .LBB2_10-.Ltmp4, $4  }
0x89: {  	[spmem:s6] =	stream.indirect.scatter.add.f32 [tilespmem:s26], [sflag:$0x1], $0x1, s25, s24, $0xb8;
	[tilespmem:$0x1EEB0] =	vst v63  }
0x8a: {  	_ =	swait.ge [sflag:s23], $0x780  }
0x8b: {  	[sflag:s23] =	ssyncset.done $0x0  }
0x8c: {  	[sflag:s23] =	ssyncadd.s32 $0xFFFFF880  }
0x8d: {  	[bflag:$0x0] =	sbarrier.arrive $0xFFFF;
	p1 =	sgt.u32 s29, $0xFCF5D0  }
0x8e: {  	s1 =	simm.s32 @!p1 $0x4880;
	s5 =	simm.s32 @!p1 $0x2;
	p1 =	por p1, p1  }
0x8f: {  	[tilespmem:s1], [sflag:$0x2] =	stream.linear.gather @!p1 [spmem:s10], $0x2A30, $0x38;
	[tilespmem:$0x1EEB0] =	vst v63  }
0x90: {  	_ =	swait.ge @!p1 [sflag:s5], $0x2A30  }
0x91: {  	s4 =	simm.s32 $0x546;
	s20 =	simm.s32 @!p1 $0x1;
	[sflag:s5] =	ssyncset.done @!p1 $0x0  }
0x92: {  	s7 =	simm.s32 @!p1 $0x0;
	[sflag:s5] =	ssyncadd.s32 @!p1 $0xFFFFD5D0;
	s5 =	sadd.s32 @!p1 $0x0, s30  }
0x93: {  	[hbm4b:s5+s7] =	stream.linear.scatter @!p1 [tilespmem:s1], [sflag:$0x1], $0x2A30, $0x38;
	[tilespmem:$0x1EEB0] =	vst v63  }
0x94: {  	s9 =	simm.s32 $0xA8C;
	s19 =	sadd.s32 $0x2A30, s29;
	_ =	swait.ge @!p1 [sflag:s20], $0x2A30  }
0x95: {  	p2 =	sgt.u32 s19, $0xFCF5D0;
	s7 =	sadd.s32 $0x2A30, s10;
	[sflag:s20] =	ssyncset.done @!p1 $0x0  }
.LBB2_14:
0x96: {  	s1 =	simm.s32 @!p2 $0x4880  }
0x97: {  	s5 =	simm.s32 @!p2 $0x2;
	[sflag:s20] =	ssyncadd.s32 @!p1 $0xFFFFD5D0;
	s21 =	smov.u32 s4  }
0x98: {  	s4 =	smov.u32 s9;
	p1 =	por p2, p2;
	s9 =	sadd.s32 $0x546, s9  }
0x99: {  	[tilespmem:s1], [sflag:$0x2] =	stream.linear.gather @!p1 [spmem:s7], $0x2A30, $0x38;
	[tilespmem:$0x1EEB0] =	vst v63  }
0x9a: {  	p3 =	sne.s32 s9, $0x2F76;
	_ =	swait.ge @!p1 [sflag:s5], $0x2A30  }
.Ltmp5:
0x9b: {  	s20 =	simm.s32 @!p1 $0x1;
	[sflag:s5] =	ssyncset.done @!p1 $0x0;
	(pc) =	sbr.rel @p3 .LBB2_14-.Ltmp5, $4  }
0x9c: {  	[sflag:s5] =	ssyncadd.s32 @!p1 $0xFFFFD5D0;
	s5 =	sadd.s32 @!p1 s21, s30;
	s21 =	simm.s32 @!p1 $0x0  }
0x9d: {  	[hbm4b:s5+s21] =	stream.linear.scatter @!p1 [tilespmem:s1], [sflag:$0x1], $0x2A30, $0x38;
	[tilespmem:$0x1EEB0] =	vst v63  }
0x9e: {  	s19 =	sadd.s32 $0x2A30, s19;
	_ =	swait.ge @!p1 [sflag:s20], $0x2A30  }
0x9f: {  	p2 =	sgt.u32 s19, $0xFCF5D0;
	s7 =	sadd.s32 $0x2A30, s7;
	[sflag:s20] =	ssyncset.done @!p1 $0x0  }
0xa0: {  	s1 =	simm.s32 @!p2 $0x4880  }
0xa1: {  	s5 =	simm.s32 @!p2 $0x2;
	[sflag:s20] =	ssyncadd.s32 @!p1 $0xFFFFD5D0;
	p1 =	por p2, p2  }
0xa2: {  	[tilespmem:s1], [sflag:$0x2] =	stream.linear.gather @!p1 [spmem:s7], $0x2A30, $0x38;
	[tilespmem:$0x1EEB0] =	vst v63  }
0xa3: {  	_ =	swait.ge @!p1 [sflag:s5], $0x2A30  }
0xa4: {  	s7 =	simm.s32 @!p1 $0x1;
	[sflag:s5] =	ssyncset.done @!p1 $0x0  }
0xa5: {  	s4 =	sadd.s32 @!p1 s4, s30;
	[sflag:s5] =	ssyncadd.s32 @!p1 $0xFFFFD5D0;
	s5 =	simm.s32 @!p1 $0x0  }
0xa6: {  	[hbm4b:s4+s5] =	stream.linear.scatter @!p1 [tilespmem:s1], [sflag:$0x1], $0x2A30, $0x38;
	[tilespmem:$0x1EEB0] =	vst v63  }
0xa7: {  	_ =	swait.ge @!p1 [sflag:s7], $0x2A30  }
0xa8: {  	s31 =	sadd.s32 $0x1, s31;
	[sflag:s7] =	ssyncset.done @!p1 $0x0  }
0xa9: {  	[sflag:s7] =	ssyncadd.s32 @!p1 $0xFFFFD5D0;
	p1 =	sne.s32 s31, $0xB  }
.Ltmp6:
0xaa: {  	_ = 	snop;
	(pc) =	sbr.rel @p1 .LBB2_9-.Ltmp6, $4  }
.Ltmp7:
0xab: {  	_ = 	snop;
	(pc) =	sbr.rel @!p1 .LBB2_16-.Ltmp7, $4  }
0xac: {  	_ = 	snop  }
0xad: {  	[bflag:$0x0] =	sbarrier.arrive $0xFFFF  }
0xae: {  	s29 =	sadd.s32 $0x17BB00, s29;
	s30 =	sadd.s32 $0x2F760, s30  }
0xaf: {  	_ = 	snop  }
.LBB2_2:
0xb0: {  	[spmem:s10] =	stream.linear.scatter [tilespmem:s22], [sflag:$0x1], $0x2A30, $0x38;
	[tilespmem:$0x1EEB0] =	vst v63  }
0xb1: {  	_ =	swait.ge [sflag:s23], $0x2A30  }
0xb2: {  	[sflag:s23] =	ssyncset.done $0x0  }
0xb3: {  	[sflag:s23] =	ssyncadd.s32 $0xFFFFD5D0  }
0xb4: {  	[spmem:s11] =	stream.linear.scatter [tilespmem:s22], [sflag:$0x1], $0x2A30, $0x38;
	[tilespmem:$0x1EEB0] =	vst v63  }
0xb5: {  	_ =	swait.ge [sflag:s23], $0x2A30  }
0xb6: {  	[sflag:s23] =	ssyncset.done $0x0  }
0xb7: {  	[sflag:s23] =	ssyncadd.s32 $0xFFFFD5D0  }
0xb8: {  	[spmem:s12] =	stream.linear.scatter [tilespmem:s22], [sflag:$0x1], $0x2A30, $0x38;
	[tilespmem:$0x1EEB0] =	vst v63  }
0xb9: {  	_ =	swait.ge [sflag:s23], $0x2A30  }
0xba: {  	[sflag:s23] =	ssyncset.done $0x0  }
0xbb: {  	[sflag:s23] =	ssyncadd.s32 $0xFFFFD5D0  }
0xbc: {  	[spmem:s13] =	stream.linear.scatter [tilespmem:s22], [sflag:$0x1], $0x2A30, $0x38;
	[tilespmem:$0x1EEB0] =	vst v63  }
0xbd: {  	_ =	swait.ge [sflag:s23], $0x2A30  }
0xbe: {  	[sflag:s23] =	ssyncset.done $0x0  }
0xbf: {  	[sflag:s23] =	ssyncadd.s32 $0xFFFFD5D0  }
0xc0: {  	[spmem:s14] =	stream.linear.scatter [tilespmem:s22], [sflag:$0x1], $0x2A30, $0x38;
	[tilespmem:$0x1EEB0] =	vst v63  }
0xc1: {  	_ =	swait.ge [sflag:s23], $0x2A30  }
0xc2: {  	[sflag:s23] =	ssyncset.done $0x0  }
0xc3: {  	[sflag:s23] =	ssyncadd.s32 $0xFFFFD5D0  }
0xc4: {  	[spmem:s15] =	stream.linear.scatter [tilespmem:s22], [sflag:$0x1], $0x2A30, $0x38;
	[tilespmem:$0x1EEB0] =	vst v63  }
0xc5: {  	_ =	swait.ge [sflag:s23], $0x2A30  }
0xc6: {  	[sflag:s23] =	ssyncset.done $0x0  }
0xc7: {  	[sflag:s23] =	ssyncadd.s32 $0xFFFFD5D0  }
0xc8: {  	[spmem:s16] =	stream.linear.scatter [tilespmem:s22], [sflag:$0x1], $0x2A30, $0x38;
	[tilespmem:$0x1EEB0] =	vst v63  }
0xc9: {  	_ =	swait.ge [sflag:s23], $0x2A30  }
0xca: {  	[sflag:s23] =	ssyncset.done $0x0  }
0xcb: {  	[sflag:s23] =	ssyncadd.s32 $0xFFFFD5D0  }
0xcc: {  	[spmem:s17] =	stream.linear.scatter [tilespmem:s22], [sflag:$0x1], $0x2A30, $0x38;
	[tilespmem:$0x1EEB0] =	vst v63  }
0xcd: {  	_ =	swait.ge [sflag:s23], $0x2A30  }
0xce: {  	[sflag:s23] =	ssyncset.done $0x0  }
0xcf: {  	[sflag:s23] =	ssyncadd.s32 $0xFFFFD5D0  }
0xd0: {  	[spmem:s18] =	stream.linear.scatter [tilespmem:s22], [sflag:$0x1], $0x2A30, $0x38;
	[tilespmem:$0x1EEB0] =	vst v63  }
0xd1: {  	_ =	swait.ge [sflag:s23], $0x2A30  }
0xd2: {  	s7 =	smul.u32 $0x17BB00, s4;
	[sflag:s23] =	ssyncset.done $0x0  }
0xd3: {  	[sflag:s23] =	ssyncadd.s32 $0xFFFFD5D0  }
0xd4: {  	s29 =	simm.s32 $0x0;
	s30 =	simm.s32 $0x0;
	v1 =	vmov s7;
	[bflag:$0x0] =	sbarrier.arrive $0xFFFF  }
.LBB2_3:
0xd5: {  	s7 =	smul.u32 $0x780, s30;
	_ =	sdelay $0x1  }
0xd6: {  	s7 =	sadd.s32 s8, s7  }
0xd7: {  	s7 =	sshrl.u32 s7, $0x3  }
0xd8: {  	s7 =	sadd.s32 s0, s7  }
0xd9: {  	[tilespmem:s29], [sflag:$0x1] =	stream.linear.gather [hbm4b:s7+s29], $0x780, $0x38;
	[tilespmem:$0x1EEB0] =	vst v63  }
0xda: {  	_ =	swait.ge [sflag:s23], $0x780  }
0xdb: {  	[sflag:s23] =	ssyncset.done $0x0  }
0xdc: {  	s31 =	simm.s32 $0x0;
	[sflag:s23] =	ssyncadd.s32 $0xFFFFF880  }
0xdd: {  	v2 =	vld [tilespmem:s31+$0x70]  }
0xde: {  	v3 =	vld [tilespmem:s31+$0x0]  }
0xdf: {  	v4 =	vld [tilespmem:s31+$0x10]  }
0xe0: {  	v5 =	vld [tilespmem:s31+$0x20]  }
0xe1: {  	v6 =	vld [tilespmem:s31+$0x30]  }
0xe2: {  	v9 =	vld [tilespmem:s31+$0x60]  }
0xe3: {  	v7 =	vld [tilespmem:s31+$0x40];
	v2 =	vsub.s32 v2, v1  }
0xe4: {  	v8 =	vld [tilespmem:s31+$0x50];
	v3 =	vsub.s32 v3, v1;
	vm0 =	vlt.u32 v2, $0x17BB00  }
0xe5: {  	v4 =	vsub.s32 v4, v1;
	vm1 =	vlt.u32 v3, $0x17BB00;
	v10 =	vsel vm0, $0x3F800000, v0  }
0xe6: {  	v5 =	vsub.s32 v5, v1;
	v6 =	vsub.s32 v6, v1;
	v3 =	vnsel vm1, $0x0, v3;
	[tilespmem:s31+$0x16F0] =	vst v10  }
0xe7: {  	v9 =	vsub.s32 v9, v1;
	vm2 =	vlt.u32 v4, $0x17BB00;
	[tilespmem:s31+$0xF00] =	vst v3;
	v3 =	vsel vm1, $0x3F800000, v0  }
0xe8: {  	vm3 =	vlt.u32 v6, $0x17BB00;
	vm1 =	vlt.u32 v5, $0x17BB00;
	[tilespmem:s31+$0x1680] =	vst v3;
	v3 =	vnsel vm2, $0x0, v4  }
0xe9: {  	v4 =	vsub.s32 v7, v1;
	v7 =	vsub.s32 v8, v1;
	[tilespmem:s31+$0xF10] =	vst v3;
	v3 =	vsel vm2, $0x3F800000, v0  }
0xea: {  	v8 =	vsel vm3, $0x3F800000, v0;
	vm2 =	vlt.u32 v4, $0x17BB00;
	[tilespmem:s31+$0x1690] =	vst v3;
	v3 =	vnsel vm1, $0x0, v5  }
0xeb: {  	vm4 =	vlt.u32 v7, $0x17BB00;
	v5 =	vnsel vm3, $0x0, v6;
	v6 =	vnsel vm2, $0x0, v4;
	[tilespmem:s31+$0xF20] =	vst v3  }
0xec: {  	v4 =	vsel vm2, $0x3F800000, v0;
	v3 =	vsel vm1, $0x3F800000, v0;
	vm1 =	vlt.u32 v9, $0x17BB00;
	[tilespmem:s31+$0xF30] =	vst v5  }
0xed: {  	s9 =	simm.s32 $0x400;
	s7 =	simm.s32 $0x80;
	v7 =	vnsel vm4, $0x0, v7;
	v5 =	vsel vm4, $0x3F800000, v0;
	[tilespmem:s31+$0x16A0] =	vst v3;
	v3 =	vnsel vm1, $0x0, v9  }
.LBB2_4:
0xee: {  	p1 =	sne.s32 s9, $0x1C00;
	v9 =	vld [tilespmem:s7+$0x70];
	[tilespmem:s31+$0x16B0] =	vst v8;
	v8 =	vsel vm1, $0x3F800000, v0;
	v10 =	vnsel vm0, $0x0, v2  }
0xef: {  	v11 =	vld [tilespmem:s7+$0x0];
	[tilespmem:s31+$0xF40] =	vst v6  }
0xf0: {  	v6 =	vld [tilespmem:s7+$0x10];
	[tilespmem:s31+$0x16C0] =	vst v4  }
0xf1: {  	v4 =	vld [tilespmem:s7+$0x20];
	[tilespmem:s31+$0xF50] =	vst v7  }
0xf2: {  	v7 =	vld [tilespmem:s7+$0x30];
	[tilespmem:s31+$0x16D0] =	vst v5  }
0xf3: {  	v5 =	vld [tilespmem:s7+$0x40];
	v2 =	vsub.s32 v9, v1;
	[tilespmem:s31+$0xF60] =	vst v3  }
0xf4: {  	v3 =	vsub.s32 v11, v1;
	v9 =	vld [tilespmem:s7+$0x50];
	vm0 =	vlt.u32 v2, $0x17BB00;
	[tilespmem:s31+$0x16E0] =	vst v8  }
0xf5: {  	vm1 =	vlt.u32 v3, $0x17BB00;
	v6 =	vsub.s32 v6, v1;
	v8 =	vld [tilespmem:s7+$0x60];
	v11 =	vsel vm0, $0x3F800000, v0;
	[tilespmem:s31+$0xF70] =	vst v10;
	s31 =	smov.u32 s7  }
0xf6: {  	v3 =	vnsel vm1, $0x0, v3;
	vm2 =	vlt.u32 v6, $0x17BB00;
	v4 =	vsub.s32 v4, v1;
	[tilespmem:s31+$0x16F0] =	vst v11  }
0xf7: {  	[tilespmem:s31+$0xF00] =	vst v3;
	v3 =	vsel vm1, $0x3F800000, v0;
	vm1 =	vlt.u32 v4, $0x17BB00;
	v7 =	vsub.s32 v7, v1  }
0xf8: {  	[tilespmem:s31+$0x1680] =	vst v3;
	v3 =	vnsel vm2, $0x0, v6;
	vm3 =	vlt.u32 v7, $0x17BB00;
	v5 =	vsub.s32 v5, v1  }
.Ltmp8:
0xf9: {  	[tilespmem:s31+$0xF10] =	vst v3;
	v3 =	vsel vm2, $0x3F800000, v0;
	vm2 =	vlt.u32 v5, $0x17BB00;
	v9 =	vsub.s32 v9, v1;
	(pc) =	sbr.rel @p1 .LBB2_4-.Ltmp8, $4  }
0xfa: {  	[tilespmem:s31+$0x1690] =	vst v3;
	v3 =	vnsel vm1, $0x0, v4;
	vm4 =	vlt.u32 v9, $0x17BB00;
	v10 =	vsub.s32 v8, v1  }
0xfb: {  	v7 =	vnsel vm3, $0x0, v7;
	[tilespmem:s31+$0xF20] =	vst v3;
	v3 =	vsel vm1, $0x3F800000, v0;
	vm1 =	vlt.u32 v10, $0x17BB00  }
0xfc: {  	v8 =	vsel vm3, $0x3F800000, v0;
	v6 =	vnsel vm2, $0x0, v5;
	v4 =	vsel vm2, $0x3F800000, v0;
	[tilespmem:s31+$0x16A0] =	vst v3  }
0xfd: {  	s7 =	sshra.s32 s9, $0x2;
	s9 =	sadd.s32 $0x200, s9;
	v5 =	vsel vm4, $0x3F800000, v0;
	v3 =	vnsel vm1, $0x0, v10;
	[tilespmem:s31+$0xF30] =	vst v7;
	v7 =	vnsel vm4, $0x0, v9  }
0xfe: {  	v9 =	vld [tilespmem:s7+$0x70];
	[tilespmem:s31+$0x16B0] =	vst v8  }
0xff: {  	v8 =	vld [tilespmem:s7+$0x0];
	[tilespmem:s31+$0xF40] =	vst v6  }
0x100: {  	v6 =	vld [tilespmem:s7+$0x10];
	[tilespmem:s31+$0x16C0] =	vst v4  }
0x101: {  	v4 =	vld [tilespmem:s7+$0x20];
	[tilespmem:s31+$0xF50] =	vst v7  }
0x102: {  	v7 =	vld [tilespmem:s7+$0x30];
	[tilespmem:s31+$0x16D0] =	vst v5  }
0x103: {  	v5 =	vld [tilespmem:s7+$0x40];
	[tilespmem:s31+$0xF60] =	vst v3;
	v3 =	vsel vm1, $0x3F800000, v0;
	v9 =	vsub.s32 v9, v1  }
0x104: {  	v2 =	vnsel vm0, $0x0, v2;
	v10 =	vld [tilespmem:s7+$0x50];
	[tilespmem:s31+$0x16E0] =	vst v3;
	v3 =	vsub.s32 v8, v1;
	vm9 =	vlt.u32 v9, $0x17BB00  }
0x105: {  	v61 =	vld [tilespmem:s7+$0x60];
	vm10 =	vlt.u32 v3, $0x17BB00;
	v11 =	vsel vm9, $0x3F800000, v0;
	[tilespmem:s31+$0xF70] =	vst v2  }
0x106: {  	v2 =	vsub.s32 v6, v1;
	v3 =	vnsel vm10, $0x0, v3;
	[tilespmem:s7+$0x16F0] =	vst v11  }
0x107: {  	vm2 =	vlt.u32 v2, $0x17BB00;
	[tilespmem:s7+$0xF00] =	vst v3;
	v3 =	vsel vm10, $0x3F800000, v0  }
0x108: {  	v4 =	vsub.s32 v4, v1;
	v2 =	vnsel vm2, $0x0, v2;
	[tilespmem:s7+$0x1680] =	vst v3  }
0x109: {  	vm11 =	vlt.u32 v4, $0x17BB00;
	[tilespmem:s7+$0xF10] =	vst v2;
	v2 =	vsel vm2, $0x3F800000, v0  }
0x10a: {  	v3 =	vsub.s32 v7, v1;
	[tilespmem:s7+$0x1690] =	vst v2;
	v2 =	vnsel vm11, $0x0, v4  }
0x10b: {  	v62 =	vsub.s32 v5, v1;
	vm12 =	vlt.u32 v3, $0x17BB00;
	[tilespmem:s7+$0xF20] =	vst v2;
	v2 =	vsel vm11, $0x3F800000, v0  }
0x10c: {  	vm13 =	vlt.u32 v62, $0x17BB00;
	v3 =	vnsel vm12, $0x0, v3;
	[tilespmem:s7+$0x16A0] =	vst v2  }
0x10d: {  	v4 =	vnsel vm13, $0x0, v62;
	[tilespmem:s7+$0xF30] =	vst v3  }
0x10e: {  	v2 =	vsel vm12, $0x3F800000, v0;
	v3 =	vsub.s32 v10, v1;
	[tilespmem:s7+$0xF40] =	vst v4  }
0x10f: {  	[tilespmem:s7+$0x16B0] =	vst v2;
	vm14 =	vlt.u32 v3, $0x17BB00;
	v2 =	vsel vm13, $0x3F800000, v0  }
0x110: {  	v63 =	vsub.s32 v61, v1;
	v3 =	vnsel vm14, $0x0, v3;
	[tilespmem:s7+$0x16C0] =	vst v2  }
0x111: {  	vm15 =	vlt.u32 v63, $0x17BB00;
	v2 =	vsel vm14, $0x3F800000, v0;
	[tilespmem:s7+$0xF50] =	vst v3  }
0x112: {  	v3 =	vnsel vm15, $0x0, v63;
	[tilespmem:s7+$0x16D0] =	vst v2  }
0x113: {  	s30 =	sadd.s32 $0x1, s30;
	v2 =	vsel vm15, $0x3F800000, v0;
	[tilespmem:s7+$0xF60] =	vst v3  }
0x114: {  	p1 =	sne.s32 s30, $0x30;
	v3 =	vnsel vm9, $0x0, v9;
	[tilespmem:s7+$0x16E0] =	vst v2  }
.Ltmp9:
0x115: {  	[tilespmem:s7+$0xF70] =	vst v3;
	(pc) =	sbr.rel @p1 .LBB2_3-.Ltmp9, $4  }
0x116: {  	[spmem:s6] =	stream.indirect.scatter.add.f32 [tilespmem:s26], [sflag:$0x1], $0x1, s25, s24, $0xb8;
	[tilespmem:$0x1EEB0] =	vst v63  }
0x117: {  	_ =	swait.ge [sflag:s23], $0x780  }
0x118: {  	[sflag:s23] =	ssyncset.done $0x0  }
0x119: {  	[sflag:s23] =	ssyncadd.s32 $0xFFFFF880  }
0x11a: {  	[bflag:$0x0] =	sbarrier.arrive $0xFFFF;
	p1 =	sgt.u32 s20, $0xFCF5D0  }
0x11b: {  	s7 =	simm.s32 @!p1 $0x4880;
	s9 =	simm.s32 @!p1 $0x2;
	p1 =	por p1, p1  }
0x11c: {  	[tilespmem:s7], [sflag:$0x2] =	stream.linear.gather @!p1 [spmem:s10], $0x2A30, $0x38;
	[tilespmem:$0x1EEB0] =	vst v63  }
0x11d: {  	_ =	swait.ge @!p1 [sflag:s9], $0x2A30  }
0x11e: {  	s31 =	simm.s32 $0xA8C;
	s30 =	simm.s32 @!p1 $0x1;
	[sflag:s9] =	ssyncset.done @!p1 $0x0  }
0x11f: {  	s29 =	simm.s32 @!p1 $0x0;
	[sflag:s9] =	ssyncadd.s32 @!p1 $0xFFFFD5D0;
	s9 =	sadd.s32 @!p1 $0x0, s19  }
0x120: {  	[hbm4b:s9+s29] =	stream.linear.scatter @!p1 [tilespmem:s7], [sflag:$0x1], $0x2A30, $0x38;
	[tilespmem:$0x1EEB0] =	vst v63  }
0x121: {  	s7 =	simm.s32 $0x546;
	s29 =	sadd.s32 $0x2A30, s20;
	_ =	swait.ge @!p1 [sflag:s30], $0x2A30  }
0x122: {  	s9 =	smov.u32 s11;
	p2 =	sgt.u32 s29, $0xFCF5D0;
	[sflag:s30] =	ssyncset.done @!p1 $0x0  }
.LBB2_7:
0x123: {  	s5 =	simm.s32 @!p2 $0x4880  }
0x124: {  	s21 =	simm.s32 @!p2 $0x2;
	[sflag:s30] =	ssyncadd.s32 @!p1 $0xFFFFD5D0;
	s1 =	smov.u32 s7  }
0x125: {  	s7 =	smov.u32 s31;
	p1 =	por p2, p2;
	s31 =	sadd.s32 $0x546, s31  }
0x126: {  	[tilespmem:s5], [sflag:$0x2] =	stream.linear.gather @!p1 [spmem:s9], $0x2A30, $0x38;
	[tilespmem:$0x1EEB0] =	vst v63  }
0x127: {  	p3 =	sne.s32 s31, $0x2F76;
	_ =	swait.ge @!p1 [sflag:s21], $0x2A30  }
.Ltmp10:
0x128: {  	s30 =	simm.s32 @!p1 $0x1;
	[sflag:s21] =	ssyncset.done @!p1 $0x0;
	(pc) =	sbr.rel @p3 .LBB2_7-.Ltmp10, $4  }
0x129: {  	s1 =	sadd.s32 @!p1 s1, s19;
	[sflag:s21] =	ssyncadd.s32 @!p1 $0xFFFFD5D0;
	s21 =	simm.s32 @!p1 $0x0  }
0x12a: {  	[hbm4b:s1+s21] =	stream.linear.scatter @!p1 [tilespmem:s5], [sflag:$0x1], $0x2A30, $0x38;
	[tilespmem:$0x1EEB0] =	vst v63  }
0x12b: {  	s29 =	sadd.s32 $0x2A30, s29;
	_ =	swait.ge @!p1 [sflag:s30], $0x2A30  }
0x12c: {  	p2 =	sgt.u32 s29, $0xFCF5D0;
	s9 =	sadd.s32 $0x2A30, s9;
	[sflag:s30] =	ssyncset.done @!p1 $0x0  }
0x12d: {  	s1 =	simm.s32 @!p2 $0x4880  }
0x12e: {  	s5 =	simm.s32 @!p2 $0x2;
	[sflag:s30] =	ssyncadd.s32 @!p1 $0xFFFFD5D0;
	p1 =	por p2, p2  }
0x12f: {  	[tilespmem:s1], [sflag:$0x2] =	stream.linear.gather @!p1 [spmem:s9], $0x2A30, $0x38;
	[tilespmem:$0x1EEB0] =	vst v63  }
0x130: {  	_ =	swait.ge @!p1 [sflag:s5], $0x2A30  }
0x131: {  	s9 =	simm.s32 @!p1 $0x1;
	[sflag:s5] =	ssyncset.done @!p1 $0x0  }
0x132: {  	[sflag:s5] =	ssyncadd.s32 @!p1 $0xFFFFD5D0;
	s5 =	sadd.s32 @!p1 s7, s19;
	s7 =	simm.s32 @!p1 $0x0  }
0x133: {  	[hbm4b:s5+s7] =	stream.linear.scatter @!p1 [tilespmem:s1], [sflag:$0x1], $0x2A30, $0x38;
	[tilespmem:$0x1EEB0] =	vst v63  }
0x134: {  	_ =	swait.ge @!p1 [sflag:s9], $0x2A30  }
0x135: {  	s4 =	sadd.s32 $0x1, s4;
	[sflag:s9] =	ssyncset.done @!p1 $0x0  }
0x136: {  	[sflag:s9] =	ssyncadd.s32 @!p1 $0xFFFFD5D0;
	p1 =	seq.s32 s4, $0xB  }
.Ltmp11:
0x137: {  	_ = 	snop;
	(pc) =	sbr.rel @!p1 .LBB2_2-.Ltmp11, $4  }
.Ltmp12:
0x138: {  	_ = 	snop;
	(pc) =	sbr.rel @p1 .LBB2_16-.Ltmp12, $4  }
0x139: {  	_ = 	snop  }
0x13a: {  	[bflag:$0x0] =	sbarrier.arrive $0xFFFF  }
0x13b: {  	s20 =	sadd.s32 $0x17BB00, s20;
	s19 =	sadd.s32 $0x2F760, s19  }
0x13c: {  	_ = 	snop  }
.LBB2_17:
0x13d: {  	_ =	sfence.sel $0x180000  }
0x13e: {  	[bflag:$0x0] =	sbarrier.arrive $0xFFFF  }
0x13f: {  	_ =	strace $0x90000047  }
0x140: {  	s0 =	stileid.u32;
	[bflag:$0x2] =	sbarrier.arrive $0xFFFF  }
0x141: {  	p0 =	sne.s32 s0, $0x0;
	s0 =	rddreg [dreg:$0x7]  }
0x142: {  	s0 =	sadd.s32 @!p0 $0x100000, s0  }
0x143: {  	[sflag:s0] =	ssyncadd.tile.s32 @!p0 $0x1;
	_ =	shalt  }
.Lfunc_end2:
_tile_overlayer_lowered:
.L_overlay_start_2:
0x144: {  	(tag) =	ssettag $0x2  }
0x145: {  	s0 =	rddreg [dreg:$0x0];
	s2 =	stileid.u32  }
0x146: {  	s1 =	rddreg [dreg:$0x1];
	p0 =	sne.s32 s2, $0x0  }
0x147: {  	s3 =	rddreg [dreg:$0x2];
	[bflag:$0x3] =	sbarrier.arrive $0xFFFF;
	s2 =	simm.s32 @!p0 $0x1C01  }
0x148: {  	[timem:s3], [sflag:s2] =	dma.local @!p0 [hbm:s0], s1  }
0x149: {  	s0 =	simm.s32 @!p0 $0x1  }
0x14a: {  	_ =	swait.ge @!p0 [sflag:s0], s1  }
0x14b: {  	s1 =	ssub.s32 @!p0 $0x0, s1;
	[sflag:s0] =	ssyncset.done @!p0 $0x0  }
0x14c: {  	[sflag:s0] =	ssyncadd.s32 @!p0 s1  }
0x14d: {  	[bflag:$0x3] =	sbarrier.arrive $0xFFFF  }
0x14e: {  	_ =	shalt  }

</sc_bundles>
